<compile_context>
chip_gen: v7x
topology: tpu7x:2x2x1
jax: 0.10.2.dev20260603
libtpu: 0.0.44.dev20260713+nightly
codegen_flags: <defaults>
</compile_context>

<pallas_src>
import functools

import jax
import jax.numpy as jnp
from jax import lax
from jax.experimental import pallas as pl
from jax.experimental.pallas import tpu as pltpu
from jax.experimental.pallas import tpu_sc as plsc

_NC = 2
_NS = 16
_L = 16

_BIG_I32 = 2**30
_INF = float("inf")


def _tc_prep_body(xs_ref, ws_ref, bs_ref, g_ref, be_ref, wm_ref, bm_ref,
                  z_ref):
    h = jnp.dot(xs_ref[...], ws_ref[...], preferred_element_type=jnp.float32)
    h = h + bs_ref[...]
    mean = jnp.mean(h, axis=0, keepdims=True)
    var = jnp.mean((h - mean) ** 2, axis=0, keepdims=True)
    h = (h - mean) / jnp.sqrt(var + 1e-5) * g_ref[...] + be_ref[...]
    h = jnp.maximum(h, 0.0)
    z_ref[...] = (
        jnp.dot(h, wm_ref[...], preferred_element_type=jnp.float32)
        + bm_ref[...]
    )


def _tc_knn_body(d_out, p_ref, q_ref, w_ref):
    p = p_ref[0]
    qt = jnp.transpose(q_ref[0], (1, 0))
    mm = jnp.dot(p, qt, preferred_element_type=jnp.float32)
    qq = jnp.sum(qt * qt, axis=0, keepdims=True)
    sq = jnp.sum(p * p, axis=1, keepdims=True)
    d = -2.0 * mm
    d = d + qq
    d = d + sq
    d = jnp.clip(d, 1e-16, None)

    n_sub, tq = d.shape
    iota = lax.broadcasted_iota(jnp.int32, (n_sub, tq), 0)
    for r in range(3):
        mn = jnp.min(d, axis=0, keepdims=True)
        ii = jnp.min(jnp.where(d == mn, iota, _BIG_I32), axis=0,
                     keepdims=True)
        w_ref[0, r, :] = (1.0 / mn)[0]
        w_ref[0, 3 + r, :] = (ii * (d_out + 1)).astype(jnp.float32)[0]
        if r < 2:
            d = jnp.where(iota == ii, _INF, d)
    w_ref[0, 6, :] = jnp.zeros((tq,), jnp.float32)
    w_ref[0, 7, :] = jnp.zeros((tq,), jnp.float32)


def _sc_interp_body(n_sub, n_per_w, w_hbm, z_hbm, out_hbm, wbuf, z_v, out_v):
    d_out = 2 * _L
    c = lax.axis_index("c")
    s = lax.axis_index("s")
    qbase = s * n_per_w

    zlen = n_sub * (d_out + 1)
    pltpu.sync_copy(w_hbm.at[c, :, pl.ds(qbase, n_per_w)], wbuf)
    pltpu.sync_copy(z_hbm.at[pl.ds(c * zlen, zlen)], z_v)

    def group_body(g, carry):
        o = pl.multiple_of(g * _L, _L)
        w1 = wbuf[0, pl.ds(o, _L)]
        w2 = wbuf[1, pl.ds(o, _L)]
        w3 = wbuf[2, pl.ds(o, _L)]
        i1 = wbuf[3, pl.ds(o, _L)].astype(jnp.int32)
        i2 = wbuf[4, pl.ds(o, _L)].astype(jnp.int32)
        i3 = wbuf[5, pl.ds(o, _L)].astype(jnp.int32)
        rcp = 1.0 / (w1 + w2 + w3)
        sw1 = w1 * rcp
        sw2 = w2 * rcp
        sw3 = w3 * rcp
        for dim in range(d_out):
            acc = sw1 * plsc.load_gather(z_v, [i1 + dim])
            acc = acc + sw2 * plsc.load_gather(z_v, [i2 + dim])
            acc = acc + sw3 * plsc.load_gather(z_v, [i3 + dim])
            out_v[dim, pl.ds(o, _L)] = acc
        return carry

    lax.fori_loop(0, n_per_w // _L, group_body, 0)

    pltpu.sync_copy(out_v, out_hbm.at[c, :, pl.ds(qbase, n_per_w)])


def kernel(x, x_sub, pos, pos_sub, W_sub, b_sub, gamma, beta, W_mlp, b_mlp):
    B, N_sub, d_in = x_sub.shape
    d_out = W_sub.shape[1]
    _, N, d_p = pos.shape
    assert d_p == 3 and B == _NC and N % (_NS * _L) == 0
    assert N_sub % _L == 0 and d_out == 2 * _L
    n_per_w = N // _NS

    xs2 = x_sub.reshape(B * N_sub, d_in)
    z = pl.pallas_call(
        _tc_prep_body,
        out_shape=jax.ShapeDtypeStruct((B * N_sub, d_out), jnp.float32),
    )(
        xs2, W_sub,
        b_sub.reshape(1, d_out), gamma.reshape(1, d_out),
        beta.reshape(1, d_out), W_mlp, b_mlp.reshape(1, d_out),
    )

    TQ = 1024
    wout = pl.pallas_call(
        functools.partial(_tc_knn_body, d_out),
        grid=(B, N // TQ),
        in_specs=[
            pl.BlockSpec((1, N_sub, d_p), lambda b, i: (b, 0, 0)),
            pl.BlockSpec((1, TQ, d_p), lambda b, i: (b, i, 0)),
        ],
        out_specs=pl.BlockSpec((1, 8, TQ), lambda b, i: (b, 0, i)),
        out_shape=jax.ShapeDtypeStruct((B, 8, N), jnp.float32),
    )(pos_sub, pos)

    z_pad = jnp.pad(z.reshape(B, N_sub, d_out), ((0, 0), (0, 0), (0, 1)))

    mesh = plsc.VectorSubcoreMesh(core_axis_name="c", subcore_axis_name="s")
    out_soa = pl.kernel(
        functools.partial(_sc_interp_body, N_sub, n_per_w),
        out_type=jax.ShapeDtypeStruct((B, d_out, N), jnp.float32),
        mesh=mesh,
        compiler_params=pltpu.CompilerParams(
            needs_layout_passes=False, use_tc_tiling_on_sc=False),
        scratch_types=[
            pltpu.VMEM((8, n_per_w), jnp.float32),
            pltpu.VMEM((N_sub * (d_out + 1),), jnp.float32),
            pltpu.VMEM((d_out, n_per_w), jnp.float32),
        ],
    )(wout, z_pad.reshape(-1))
    return jnp.transpose(out_soa, (0, 2, 1))

# --- scband reference (transcript-rebuilt; emitter-appended) ---
"""Pipeline reference for scband-transition-up-39625368273368 (READ-ONLY COPY).

The authoritative reference and input builder live on the scoring server;
editing this copy changes nothing except your own understanding.
"""

import jax, jax.numpy as jnp
import numpy as np


def square_distance(src, dst):
    dist = -2.0 * jnp.matmul(src, jnp.transpose(dst, (0, 2, 1)))
    dist = dist + jnp.sum(src ** 2, axis=-1)[:, :, None]
    dist = dist + jnp.sum(dst ** 2, axis=-1)[:, None, :]
    dist = jnp.clip(dist, 1e-16, None)
    return dist


def setup_inputs(seed: int = 0) -> dict:
    key = jax.random.key(seed)
    ks = jax.random.split(key, 8)
    B, N, N_sub, d_in, d_out, d_p = 2, 8192, 1024, 64, 32, 3
    x = jax.random.normal(ks[0], (B, N, 32), dtype=jnp.float32)
    x_sub = jax.random.normal(ks[1], (B, N_sub, d_in), dtype=jnp.float32)
    pos = jax.random.normal(ks[2], (B, N, d_p), dtype=jnp.float32)
    pos_sub = jax.random.normal(ks[3], (B, N_sub, d_p), dtype=jnp.float32)
    W_sub = jax.random.normal(ks[4], (d_in, d_out), dtype=jnp.float32) / np.sqrt(d_in)
    b_sub = jnp.zeros((d_out,), dtype=jnp.float32)
    gamma = jnp.ones((d_out,), dtype=jnp.float32)
    beta = jnp.zeros((d_out,), dtype=jnp.float32)
    W_mlp = jax.random.normal(ks[5], (d_out, d_out), dtype=jnp.float32) / np.sqrt(d_out)
    b_mlp = jnp.zeros((d_out,), dtype=jnp.float32)
    return {"x": x, "x_sub": x_sub, "pos": pos, "pos_sub": pos_sub,
            "W_sub": W_sub, "b_sub": b_sub, "gamma": gamma, "beta": beta,
            "W_mlp": W_mlp, "b_mlp": b_mlp}


def reference(x, x_sub, pos, pos_sub, W_sub, b_sub, gamma, beta, W_mlp, b_mlp):
    B, N_sub, d_in = x_sub.shape
    # mlp_sub: Linear -> BatchNorm1d (train mode, batch stats, biased var) -> ReLU
    h = x_sub.reshape(B * N_sub, d_in) @ W_sub + b_sub
    mean = jnp.mean(h, axis=0)
    var = jnp.var(h, axis=0)
    h = (h - mean) / jnp.sqrt(var + 1e-5) * gamma + beta
    h = jnp.maximum(h, 0.0)
    d_out = h.shape[-1]
    x_sub_f = h.reshape(B, N_sub, d_out)
    B2, N, d_p = pos.shape
    # no_grad block in torch -> stop_gradient
    dist = square_distance(pos, pos_sub)
    neg_v, idx = jax.lax.top_k(-dist, 3)  # smallest 3 distances
    v = -neg_v
    w = jax.lax.stop_gradient(1.0 / v)
    idx = jax.lax.stop_gradient(idx)
    # gather neighbor features: [B, N, 3, d_out] (no giant repeat needed)
    y = jnp.take_along_axis(x_sub_f[:, None, :, :], idx[..., None], axis=2)
    y = y * w[..., None]
    yy = jnp.sum(y, axis=2)
    ww = jnp.sum(w, axis=2)
    x_interpolated = yy / ww[..., None]
    out = x_interpolated.reshape(B * N, d_out) @ W_mlp + b_mlp
    return out.reshape(B, N, d_out)

if __name__ == "__main__":
    import jax
    _d = setup_inputs()
    print(jax.jit(kernel)(*tuple(_d.values())))

</pallas_src>

<mosaic_0001>
#map = affine_map<(d0, d1) -> (0, 0, 0)>
#map1 = affine_map<(d0, d1) -> (0)>
module attributes {stable_mosaic.version = 14 : i64} {
  func.func @_sc_interp_body(%arg0: i32, %arg1: i32, %arg2: memref<2x8x8192xf32, #tpu.memory_space<hbm>>, %arg3: memref<67584xf32, #tpu.memory_space<hbm>>, %arg4: memref<2x32x8192xf32, #tpu.memory_space<hbm>>, %arg5: memref<8x512xf32, #tpu.memory_space<vmem>>, %arg6: memref<33792xf32, #tpu.memory_space<vmem>>, %arg7: memref<32x512xf32, #tpu.memory_space<vmem>>) attributes {dimension_semantics = [#tpu.dimension_semantics<core_parallel>, #tpu.dimension_semantics<subcore_parallel>], iteration_bounds = array<i64: 2, 16>, scalar_prefetch = 0 : i64, scratch_operands = 3 : i64, tpu.core_type = #tpu.core_type<sc_vector_subcore>, window_params = [{transform_indices = #map}, {transform_indices = #map1}, {transform_indices = #map}]} {
    %mul3A = arith.constant 512 : i32
    %mul3A_0 = arith.muli %arg1, %mul3A : i32
    "tpu.region"() ({
      %run_scoped3A = tpu.sem_alloc : memref<!tpu.dma_semaphore, #tpu.memory_space<semaphore_mem>>
      %dma_start3A = arith.constant 0 : i32
      %dma_start3A_8 = tpu.memref_slice %arg2[%arg0, %dma_start3A, %mul3A_0] : memref<2x8x8192xf32, #tpu.memory_space<hbm>> -> memref<1x8x512xf32, #tpu.memory_space<hbm>>
      %dma_start3A_9 = tpu.memref_squeeze %dma_start3A_8 : memref<1x8x512xf32, #tpu.memory_space<hbm>> -> memref<8x512xf32, #tpu.memory_space<hbm>>
      %dma_start3A_10 = arith.constant 0 : i32
      %dma_start3A_11 = tpu.memref_slice %arg2[%arg0, %dma_start3A_10, %mul3A_0] : memref<2x8x8192xf32, #tpu.memory_space<hbm>> -> memref<1x8x512xf32, #tpu.memory_space<hbm>>
      %dma_start3A_12 = tpu.memref_squeeze %dma_start3A_11 : memref<1x8x512xf32, #tpu.memory_space<hbm>> -> memref<8x512xf32, #tpu.memory_space<hbm>>
      tpu.enqueue_dma source(%dma_start3A_12 : memref<8x512xf32, #tpu.memory_space<hbm>>) target(%arg5 : memref<8x512xf32, #tpu.memory_space<vmem>>) target_semaphore(%run_scoped3A : memref<!tpu.dma_semaphore, #tpu.memory_space<semaphore_mem>>)
      %dma_wait3A = arith.constant 0 : i32
      %dma_wait3A_13 = tpu.memref_slice %arg2[%arg0, %dma_wait3A, %mul3A_0] : memref<2x8x8192xf32, #tpu.memory_space<hbm>> -> memref<1x8x512xf32, #tpu.memory_space<hbm>>
      %dma_wait3A_14 = tpu.memref_squeeze %dma_wait3A_13 : memref<1x8x512xf32, #tpu.memory_space<hbm>> -> memref<8x512xf32, #tpu.memory_space<hbm>>
      %dma_wait3A_15 = arith.constant 0 : i32
      %dma_wait3A_16 = tpu.memref_slice %arg2[%arg0, %dma_wait3A_15, %mul3A_0] : memref<2x8x8192xf32, #tpu.memory_space<hbm>> -> memref<1x8x512xf32, #tpu.memory_space<hbm>>
      %dma_wait3A_17 = tpu.memref_squeeze %dma_wait3A_16 : memref<1x8x512xf32, #tpu.memory_space<hbm>> -> memref<8x512xf32, #tpu.memory_space<hbm>>
      tpu.wait_dma2 semaphore(%run_scoped3A : memref<!tpu.dma_semaphore, #tpu.memory_space<semaphore_mem>>) src(%dma_wait3A_17 : memref<8x512xf32, #tpu.memory_space<hbm>>) dst(%arg5 : memref<8x512xf32, #tpu.memory_space<vmem>>)
      tpu.yield
    }) : () -> ()
    %mul3A_1 = arith.constant 33792 : i32
    %mul3A_2 = arith.muli %arg0, %mul3A_1 : i32
    "tpu.region"() ({
      %run_scoped3A = tpu.sem_alloc : memref<!tpu.dma_semaphore, #tpu.memory_space<semaphore_mem>>
      %dma_start3A = tpu.memref_slice %arg3[%mul3A_2] : memref<67584xf32, #tpu.memory_space<hbm>> -> memref<33792xf32, #tpu.memory_space<hbm>>
      %dma_start3A_8 = tpu.memref_slice %arg3[%mul3A_2] : memref<67584xf32, #tpu.memory_space<hbm>> -> memref<33792xf32, #tpu.memory_space<hbm>>
      tpu.enqueue_dma source(%dma_start3A_8 : memref<33792xf32, #tpu.memory_space<hbm>>) target(%arg6 : memref<33792xf32, #tpu.memory_space<vmem>>) target_semaphore(%run_scoped3A : memref<!tpu.dma_semaphore, #tpu.memory_space<semaphore_mem>>)
      %dma_wait3A = tpu.memref_slice %arg3[%mul3A_2] : memref<67584xf32, #tpu.memory_space<hbm>> -> memref<33792xf32, #tpu.memory_space<hbm>>
      %dma_wait3A_9 = tpu.memref_slice %arg3[%mul3A_2] : memref<67584xf32, #tpu.memory_space<hbm>> -> memref<33792xf32, #tpu.memory_space<hbm>>
      tpu.wait_dma2 semaphore(%run_scoped3A : memref<!tpu.dma_semaphore, #tpu.memory_space<semaphore_mem>>) src(%dma_wait3A_9 : memref<33792xf32, #tpu.memory_space<hbm>>) dst(%arg6 : memref<33792xf32, #tpu.memory_space<vmem>>)
      tpu.yield
    }) : () -> ()
    %scan3A = arith.constant 0 : i32
    %scan3A_3 = arith.constant 0 : i32
    %scan3A_4 = arith.constant 32 : i32
    %scan3A_5 = arith.addi %scan3A_3, %scan3A_4 : i32
    %scan3A_6 = arith.constant 1 : i32
    scf.for %scan3A_8 = %scan3A_3 to %scan3A_5 step %scan3A_6  : i32 {
      %mul3A_9 = arith.constant 16 : i32
      %mul3A_10 = arith.muli %scan3A_8, %mul3A_9 : i32
      %multiple_of3A = tpu.assume_multiple %mul3A_10, 16 : i32
      %get3A = arith.constant 0 : i32
      %get3A_11 = arith.index_cast %get3A : i32 to index
      %get3A_12 = arith.index_cast %multiple_of3A : i32 to index
      %get3A_13 = tpu.vector_load %arg5[%get3A_11, %get3A_12] {strides = array<i32>} : memref<8x512xf32, #tpu.memory_space<vmem>>, vector<16xf32>,
      %get3A_14 = arith.constant 1 : i32
      %get3A_15 = arith.index_cast %get3A_14 : i32 to index
      %get3A_16 = arith.index_cast %multiple_of3A : i32 to index
      %get3A_17 = tpu.vector_load %arg5[%get3A_15, %get3A_16] {strides = array<i32>} : memref<8x512xf32, #tpu.memory_space<vmem>>, vector<16xf32>,
      %get3A_18 = arith.constant 2 : i32
      %get3A_19 = arith.index_cast %get3A_18 : i32 to index
      %get3A_20 = arith.index_cast %multiple_of3A : i32 to index
      %get3A_21 = tpu.vector_load %arg5[%get3A_19, %get3A_20] {strides = array<i32>} : memref<8x512xf32, #tpu.memory_space<vmem>>, vector<16xf32>,
      %get3A_22 = arith.constant 3 : i32
      %get3A_23 = arith.index_cast %get3A_22 : i32 to index
      %get3A_24 = arith.index_cast %multiple_of3A : i32 to index
      %get3A_25 = tpu.vector_load %arg5[%get3A_23, %get3A_24] {strides = array<i32>} : memref<8x512xf32, #tpu.memory_space<vmem>>, vector<16xf32>,
      %convert_element_type3A = arith.fptosi %get3A_25 : vector<16xf32> to vector<16xi32>
      %get3A_26 = arith.constant 4 : i32
      %get3A_27 = arith.index_cast %get3A_26 : i32 to index
      %get3A_28 = arith.index_cast %multiple_of3A : i32 to index
      %get3A_29 = tpu.vector_load %arg5[%get3A_27, %get3A_28] {strides = array<i32>} : memref<8x512xf32, #tpu.memory_space<vmem>>, vector<16xf32>,
      %convert_element_type3A_30 = arith.fptosi %get3A_29 : vector<16xf32> to vector<16xi32>
      %get3A_31 = arith.constant 5 : i32
      %get3A_32 = arith.index_cast %get3A_31 : i32 to index
      %get3A_33 = arith.index_cast %multiple_of3A : i32 to index
      %get3A_34 = tpu.vector_load %arg5[%get3A_32, %get3A_33] {strides = array<i32>} : memref<8x512xf32, #tpu.memory_space<vmem>>, vector<16xf32>,
      %convert_element_type3A_35 = arith.fptosi %get3A_34 : vector<16xf32> to vector<16xi32>
      %add3A = arith.addf %get3A_13, %get3A_17 : vector<16xf32>
      %add3A_36 = arith.addf %add3A, %get3A_21 : vector<16xf32>
      %div3A = arith.constant 1.000000e+00 : f32
      %div3A_37 = vector.broadcast %div3A : f32 to vector<16xf32>
      %div3A_38 = arith.divf %div3A_37, %add3A_36 : vector<16xf32>
      %mul3A_39 = arith.mulf %get3A_13, %div3A_38 : vector<16xf32>
      %mul3A_40 = arith.mulf %get3A_17, %div3A_38 : vector<16xf32>
      %mul3A_41 = arith.mulf %get3A_21, %div3A_38 : vector<16xf32>
      %add3A_42 = arith.constant 0 : i32
      %add3A_43 = vector.broadcast %add3A_42 : i32 to vector<16xi32>
      %add3A_44 = arith.addi %convert_element_type3A, %add3A_43 : vector<16xi32>
      %gather3A = tpu.vector_load_idx %arg6[%add3A_44] : memref<33792xf32, #tpu.memory_space<vmem>>[vector<16xi32>], vector<16xf32>,
      %mul3A_45 = arith.mulf %mul3A_39, %gather3A : vector<16xf32>
      %add3A_46 = arith.constant 0 : i32
      %add3A_47 = vector.broadcast %add3A_46 : i32 to vector<16xi32>
      %add3A_48 = arith.addi %convert_element_type3A_30, %add3A_47 : vector<16xi32>
      %gather3A_49 = tpu.vector_load_idx %arg6[%add3A_48] : memref<33792xf32, #tpu.memory_space<vmem>>[vector<16xi32>], vector<16xf32>,
      %mul3A_50 = arith.mulf %mul3A_40, %gather3A_49 : vector<16xf32>
      %add3A_51 = arith.addf %mul3A_45, %mul3A_50 : vector<16xf32>
      %add3A_52 = arith.constant 0 : i32
      %add3A_53 = vector.broadcast %add3A_52 : i32 to vector<16xi32>
      %add3A_54 = arith.addi %convert_element_type3A_35, %add3A_53 : vector<16xi32>
      %gather3A_55 = tpu.vector_load_idx %arg6[%add3A_54] : memref<33792xf32, #tpu.memory_space<vmem>>[vector<16xi32>], vector<16xf32>,
      %mul3A_56 = arith.mulf %mul3A_41, %gather3A_55 : vector<16xf32>
      %add3A_57 = arith.addf %add3A_51, %mul3A_56 : vector<16xf32>
      %swap3A = arith.constant 0 : i32
      %swap3A_58 = arith.index_cast %swap3A : i32 to index
      %swap3A_59 = arith.index_cast %multiple_of3A : i32 to index
      %swap3A_60 = tpu.vector_load %arg7[%swap3A_58, %swap3A_59] {strides = array<i32>} : memref<32x512xf32, #tpu.memory_space<vmem>>, vector<16xf32>,
      tpu.vector_store %arg7[%swap3A_58, %swap3A_59], %add3A_57 {strides = array<i32>} : memref<32x512xf32, #tpu.memory_space<vmem>>, vector<16xf32>,
      %add3A_61 = arith.constant 1 : i32
      %add3A_62 = vector.broadcast %add3A_61 : i32 to vector<16xi32>
      %add3A_63 = arith.addi %convert_element_type3A, %add3A_62 : vector<16xi32>
      %gather3A_64 = tpu.vector_load_idx %arg6[%add3A_63] : memref<33792xf32, #tpu.memory_space<vmem>>[vector<16xi32>], vector<16xf32>,
      %mul3A_65 = arith.mulf %mul3A_39, %gather3A_64 : vector<16xf32>
      %add3A_66 = arith.constant 1 : i32
      %add3A_67 = vector.broadcast %add3A_66 : i32 to vector<16xi32>
      %add3A_68 = arith.addi %convert_element_type3A_30, %add3A_67 : vector<16xi32>
      %gather3A_69 = tpu.vector_load_idx %arg6[%add3A_68] : memref<33792xf32, #tpu.memory_space<vmem>>[vector<16xi32>], vector<16xf32>,
      %mul3A_70 = arith.mulf %mul3A_40, %gather3A_69 : vector<16xf32>
      %add3A_71 = arith.addf %mul3A_65, %mul3A_70 : vector<16xf32>
      %add3A_72 = arith.constant 1 : i32
      %add3A_73 = vector.broadcast %add3A_72 : i32 to vector<16xi32>
      %add3A_74 = arith.addi %convert_element_type3A_35, %add3A_73 : vector<16xi32>
      %gather3A_75 = tpu.vector_load_idx %arg6[%add3A_74] : memref<33792xf32, #tpu.memory_space<vmem>>[vector<16xi32>], vector<16xf32>,
      %mul3A_76 = arith.mulf %mul3A_41, %gather3A_75 : vector<16xf32>
      %add3A_77 = arith.addf %add3A_71, %mul3A_76 : vector<16xf32>
      %swap3A_78 = arith.constant 1 : i32
      %swap3A_79 = arith.index_cast %swap3A_78 : i32 to index
      %swap3A_80 = arith.index_cast %multiple_of3A : i32 to index
      %swap3A_81 = tpu.vector_load %arg7[%swap3A_79, %swap3A_80] {strides = array<i32>} : memref<32x512xf32, #tpu.memory_space<vmem>>, vector<16xf32>,
      tpu.vector_store %arg7[%swap3A_79, %swap3A_80], %add3A_77 {strides = array<i32>} : memref<32x512xf32, #tpu.memory_space<vmem>>, vector<16xf32>,
      %add3A_82 = arith.constant 2 : i32
      %add3A_83 = vector.broadcast %add3A_82 : i32 to vector<16xi32>
      %add3A_84 = arith.addi %convert_element_type3A, %add3A_83 : vector<16xi32>
      %gather3A_85 = tpu.vector_load_idx %arg6[%add3A_84] : memref<33792xf32, #tpu.memory_space<vmem>>[vector<16xi32>], vector<16xf32>,
      %mul3A_86 = arith.mulf %mul3A_39, %gather3A_85 : vector<16xf32>
      %add3A_87 = arith.constant 2 : i32
      %add3A_88 = vector.broadcast %add3A_87 : i32 to vector<16xi32>
      %add3A_89 = arith.addi %convert_element_type3A_30, %add3A_88 : vector<16xi32>
      %gather3A_90 = tpu.vector_load_idx %arg6[%add3A_89] : memref<33792xf32, #tpu.memory_space<vmem>>[vector<16xi32>], vector<16xf32>,
      %mul3A_91 = arith.mulf %mul3A_40, %gather3A_90 : vector<16xf32>
      %add3A_92 = arith.addf %mul3A_86, %mul3A_91 : vector<16xf32>
      %add3A_93 = arith.constant 2 : i32
      %add3A_94 = vector.broadcast %add3A_93 : i32 to vector<16xi32>
      %add3A_95 = arith.addi %convert_element_type3A_35, %add3A_94 : vector<16xi32>
      %gather3A_96 = tpu.vector_load_idx %arg6[%add3A_95] : memref<33792xf32, #tpu.memory_space<vmem>>[vector<16xi32>], vector<16xf32>,
      %mul3A_97 = arith.mulf %mul3A_41, %gather3A_96 : vector<16xf32>
      %add3A_98 = arith.addf %add3A_92, %mul3A_97 : vector<16xf32>
      %swap3A_99 = arith.constant 2 : i32
      %swap3A_100 = arith.index_cast %swap3A_99 : i32 to index
      %swap3A_101 = arith.index_cast %multiple_of3A : i32 to index
      %swap3A_102 = tpu.vector_load %arg7[%swap3A_100, %swap3A_101] {strides = array<i32>} : memref<32x512xf32, #tpu.memory_space<vmem>>, vector<16xf32>,
      tpu.vector_store %arg7[%swap3A_100, %swap3A_101], %add3A_98 {strides = array<i32>} : memref<32x512xf32, #tpu.memory_space<vmem>>, vector<16xf32>,
      %add3A_103 = arith.constant 3 : i32
      %add3A_104 = vector.broadcast %add3A_103 : i32 to vector<16xi32>
      %add3A_105 = arith.addi %convert_element_type3A, %add3A_104 : vector<16xi32>
      %gather3A_106 = tpu.vector_load_idx %arg6[%add3A_105] : memref<33792xf32, #tpu.memory_space<vmem>>[vector<16xi32>], vector<16xf32>,
      %mul3A_107 = arith.mulf %mul3A_39, %gather3A_106 : vector<16xf32>
      %add3A_108 = arith.constant 3 : i32
      %add3A_109 = vector.broadcast %add3A_108 : i32 to vector<16xi32>
      %add3A_110 = arith.addi %convert_element_type3A_30, %add3A_109 : vector<16xi32>
      %gather3A_111 = tpu.vector_load_idx %arg6[%add3A_110] : memref<33792xf32, #tpu.memory_space<vmem>>[vector<16xi32>], vector<16xf32>,
      %mul3A_112 = arith.mulf %mul3A_40, %gather3A_111 : vector<16xf32>
      %add3A_113 = arith.addf %mul3A_107, %mul3A_112 : vector<16xf32>
      %add3A_114 = arith.constant 3 : i32
      %add3A_115 = vector.broadcast %add3A_114 : i32 to vector<16xi32>
      %add3A_116 = arith.addi %convert_element_type3A_35, %add3A_115 : vector<16xi32>
      %gather3A_117 = tpu.vector_load_idx %arg6[%add3A_116] : memref<33792xf32, #tpu.memory_space<vmem>>[vector<16xi32>], vector<16xf32>,
      %mul3A_118 = arith.mulf %mul3A_41, %gather3A_117 : vector<16xf32>
      %add3A_119 = arith.addf %add3A_113, %mul3A_118 : vector<16xf32>
      %swap3A_120 = arith.constant 3 : i32
      %swap3A_121 = arith.index_cast %swap3A_120 : i32 to index
      %swap3A_122 = arith.index_cast %multiple_of3A : i32 to index
      %swap3A_123 = tpu.vector_load %arg7[%swap3A_121, %swap3A_122] {strides = array<i32>} : memref<32x512xf32, #tpu.memory_space<vmem>>, vector<16xf32>,
      tpu.vector_store %arg7[%swap3A_121, %swap3A_122], %add3A_119 {strides = array<i32>} : memref<32x512xf32, #tpu.memory_space<vmem>>, vector<16xf32>,
      %add3A_124 = arith.constant 4 : i32
      %add3A_125 = vector.broadcast %add3A_124 : i32 to vector<16xi32>
      %add3A_126 = arith.addi %convert_element_type3A, %add3A_125 : vector<16xi32>
      %gather3A_127 = tpu.vector_load_idx %arg6[%add3A_126] : memref<33792xf32, #tpu.memory_space<vmem>>[vector<16xi32>], vector<16xf32>,
      %mul3A_128 = arith.mulf %mul3A_39, %gather3A_127 : vector<16xf32>
      %add3A_129 = arith.constant 4 : i32
      %add3A_130 = vector.broadcast %add3A_129 : i32 to vector<16xi32>
      %add3A_131 = arith.addi %convert_element_type3A_30, %add3A_130 : vector<16xi32>
      %gather3A_132 = tpu.vector_load_idx %arg6[%add3A_131] : memref<33792xf32, #tpu.memory_space<vmem>>[vector<16xi32>], vector<16xf32>,
      %mul3A_133 = arith.mulf %mul3A_40, %gather3A_132 : vector<16xf32>
      %add3A_134 = arith.addf %mul3A_128, %mul3A_133 : vector<16xf32>
      %add3A_135 = arith.constant 4 : i32
      %add3A_136 = vector.broadcast %add3A_135 : i32 to vector<16xi32>
      %add3A_137 = arith.addi %convert_element_type3A_35, %add3A_136 : vector<16xi32>
      %gather3A_138 = tpu.vector_load_idx %arg6[%add3A_137] : memref<33792xf32, #tpu.memory_space<vmem>>[vector<16xi32>], vector<16xf32>,
      %mul3A_139 = arith.mulf %mul3A_41, %gather3A_138 : vector<16xf32>
      %add3A_140 = arith.addf %add3A_134, %mul3A_139 : vector<16xf32>
      %swap3A_141 = arith.constant 4 : i32
      %swap3A_142 = arith.index_cast %swap3A_141 : i32 to index
      %swap3A_143 = arith.index_cast %multiple_of3A : i32 to index
      %swap3A_144 = tpu.vector_load %arg7[%swap3A_142, %swap3A_143] {strides = array<i32>} : memref<32x512xf32, #tpu.memory_space<vmem>>, vector<16xf32>,
      tpu.vector_store %arg7[%swap3A_142, %swap3A_143], %add3A_140 {strides = array<i32>} : memref<32x512xf32, #tpu.memory_space<vmem>>, vector<16xf32>,
      %add3A_145 = arith.constant 5 : i32
      %add3A_146 = vector.broadcast %add3A_145 : i32 to vector<16xi32>
      %add3A_147 = arith.addi %convert_element_type3A, %add3A_146 : vector<16xi32>
      %gather3A_148 = tpu.vector_load_idx %arg6[%add3A_147] : memref<33792xf32, #tpu.memory_space<vmem>>[vector<16xi32>], vector<16xf32>,
      %mul3A_149 = arith.mulf %mul3A_39, %gather3A_148 : vector<16xf32>
      %add3A_150 = arith.constant 5 : i32
      %add3A_151 = vector.broadcast %add3A_150 : i32 to vector<16xi32>
      %add3A_152 = arith.addi %convert_element_type3A_30, %add3A_151 : vector<16xi32>
      %gather3A_153 = tpu.vector_load_idx %arg6[%add3A_152] : memref<33792xf32, #tpu.memory_space<vmem>>[vector<16xi32>], vector<16xf32>,
      %mul3A_154 = arith.mulf %mul3A_40, %gather3A_153 : vector<16xf32>
      %add3A_155 = arith.addf %mul3A_149, %mul3A_154 : vector<16xf32>
      %add3A_156 = arith.constant 5 : i32
      %add3A_157 = vector.broadcast %add3A_156 : i32 to vector<16xi32>
      %add3A_158 = arith.addi %convert_element_type3A_35, %add3A_157 : vector<16xi32>
      %gather3A_159 = tpu.vector_load_idx %arg6[%add3A_158] : memref<33792xf32, #tpu.memory_space<vmem>>[vector<16xi32>], vector<16xf32>,
      %mul3A_160 = arith.mulf %mul3A_41, %gather3A_159 : vector<16xf32>
      %add3A_161 = arith.addf %add3A_155, %mul3A_160 : vector<16xf32>
      %swap3A_162 = arith.constant 5 : i32
      %swap3A_163 = arith.index_cast %swap3A_162 : i32 to index
      %swap3A_164 = arith.index_cast %multiple_of3A : i32 to index
      %swap3A_165 = tpu.vector_load %arg7[%swap3A_163, %swap3A_164] {strides = array<i32>} : memref<32x512xf32, #tpu.memory_space<vmem>>, vector<16xf32>,
      tpu.vector_store %arg7[%swap3A_163, %swap3A_164], %add3A_161 {strides = array<i32>} : memref<32x512xf32, #tpu.memory_space<vmem>>, vector<16xf32>,
      %add3A_166 = arith.constant 6 : i32
      %add3A_167 = vector.broadcast %add3A_166 : i32 to vector<16xi32>
      %add3A_168 = arith.addi %convert_element_type3A, %add3A_167 : vector<16xi32>
      %gather3A_169 = tpu.vector_load_idx %arg6[%add3A_168] : memref<33792xf32, #tpu.memory_space<vmem>>[vector<16xi32>], vector<16xf32>,
      %mul3A_170 = arith.mulf %mul3A_39, %gather3A_169 : vector<16xf32>
      %add3A_171 = arith.constant 6 : i32
      %add3A_172 = vector.broadcast %add3A_171 : i32 to vector<16xi32>
      %add3A_173 = arith.addi %convert_element_type3A_30, %add3A_172 : vector<16xi32>
      %gather3A_174 = tpu.vector_load_idx %arg6[%add3A_173] : memref<33792xf32, #tpu.memory_space<vmem>>[vector<16xi32>], vector<16xf32>,
      %mul3A_175 = arith.mulf %mul3A_40, %gather3A_174 : vector<16xf32>
      %add3A_176 = arith.addf %mul3A_170, %mul3A_175 : vector<16xf32>
      %add3A_177 = arith.constant 6 : i32
      %add3A_178 = vector.broadcast %add3A_177 : i32 to vector<16xi32>
      %add3A_179 = arith.addi %convert_element_type3A_35, %add3A_178 : vector<16xi32>
      %gather3A_180 = tpu.vector_load_idx %arg6[%add3A_179] : memref<33792xf32, #tpu.memory_space<vmem>>[vector<16xi32>], vector<16xf32>,
      %mul3A_181 = arith.mulf %mul3A_41, %gather3A_180 : vector<16xf32>
      %add3A_182 = arith.addf %add3A_176, %mul3A_181 : vector<16xf32>
      %swap3A_183 = arith.constant 6 : i32
      %swap3A_184 = arith.index_cast %swap3A_183 : i32 to index
      %swap3A_185 = arith.index_cast %multiple_of3A : i32 to index
      %swap3A_186 = tpu.vector_load %arg7[%swap3A_184, %swap3A_185] {strides = array<i32>} : memref<32x512xf32, #tpu.memory_space<vmem>>, vector<16xf32>,
      tpu.vector_store %arg7[%swap3A_184, %swap3A_185], %add3A_182 {strides = array<i32>} : memref<32x512xf32, #tpu.memory_space<vmem>>, vector<16xf32>,
      %add3A_187 = arith.constant 7 : i32
      %add3A_188 = vector.broadcast %add3A_187 : i32 to vector<16xi32>
      %add3A_189 = arith.addi %convert_element_type3A, %add3A_188 : vector<16xi32>
      %gather3A_190 = tpu.vector_load_idx %arg6[%add3A_189] : memref<33792xf32, #tpu.memory_space<vmem>>[vector<16xi32>], vector<16xf32>,
      %mul3A_191 = arith.mulf %mul3A_39, %gather3A_190 : vector<16xf32>
      %add3A_192 = arith.constant 7 : i32
      %add3A_193 = vector.broadcast %add3A_192 : i32 to vector<16xi32>
      %add3A_194 = arith.addi %convert_element_type3A_30, %add3A_193 : vector<16xi32>
      %gather3A_195 = tpu.vector_load_idx %arg6[%add3A_194] : memref<33792xf32, #tpu.memory_space<vmem>>[vector<16xi32>], vector<16xf32>,
      %mul3A_196 = arith.mulf %mul3A_40, %gather3A_195 : vector<16xf32>
      %add3A_197 = arith.addf %mul3A_191, %mul3A_196 : vector<16xf32>
      %add3A_198 = arith.constant 7 : i32
      %add3A_199 = vector.broadcast %add3A_198 : i32 to vector<16xi32>
      %add3A_200 = arith.addi %convert_element_type3A_35, %add3A_199 : vector<16xi32>
      %gather3A_201 = tpu.vector_load_idx %arg6[%add3A_200] : memref<33792xf32, #tpu.memory_space<vmem>>[vector<16xi32>], vector<16xf32>,
      %mul3A_202 = arith.mulf %mul3A_41, %gather3A_201 : vector<16xf32>
      %add3A_203 = arith.addf %add3A_197, %mul3A_202 : vector<16xf32>
      %swap3A_204 = arith.constant 7 : i32
      %swap3A_205 = arith.index_cast %swap3A_204 : i32 to index
      %swap3A_206 = arith.index_cast %multiple_of3A : i32 to index
      %swap3A_207 = tpu.vector_load %arg7[%swap3A_205, %swap3A_206] {strides = array<i32>} : memref<32x512xf32, #tpu.memory_space<vmem>>, vector<16xf32>,
      tpu.vector_store %arg7[%swap3A_205, %swap3A_206], %add3A_203 {strides = array<i32>} : memref<32x512xf32, #tpu.memory_space<vmem>>, vector<16xf32>,
      %add3A_208 = arith.constant 8 : i32
      %add3A_209 = vector.broadcast %add3A_208 : i32 to vector<16xi32>
      %add3A_210 = arith.addi %convert_element_type3A, %add3A_209 : vector<16xi32>
      %gather3A_211 = tpu.vector_load_idx %arg6[%add3A_210] : memref<33792xf32, #tpu.memory_space<vmem>>[vector<16xi32>], vector<16xf32>,
      %mul3A_212 = arith.mulf %mul3A_39, %gather3A_211 : vector<16xf32>
      %add3A_213 = arith.constant 8 : i32
      %add3A_214 = vector.broadcast %add3A_213 : i32 to vector<16xi32>
      %add3A_215 = arith.addi %convert_element_type3A_30, %add3A_214 : vector<16xi32>
      %gather3A_216 = tpu.vector_load_idx %arg6[%add3A_215] : memref<33792xf32, #tpu.memory_space<vmem>>[vector<16xi32>], vector<16xf32>,
      %mul3A_217 = arith.mulf %mul3A_40, %gather3A_216 : vector<16xf32>
      %add3A_218 = arith.addf %mul3A_212, %mul3A_217 : vector<16xf32>
      %add3A_219 = arith.constant 8 : i32
      %add3A_220 = vector.broadcast %add3A_219 : i32 to vector<16xi32>
      %add3A_221 = arith.addi %convert_element_type3A_35, %add3A_220 : vector<16xi32>
      %gather3A_222 = tpu.vector_load_idx %arg6[%add3A_221] : memref<33792xf32, #tpu.memory_space<vmem>>[vector<16xi32>], vector<16xf32>,
      %mul3A_223 = arith.mulf %mul3A_41, %gather3A_222 : vector<16xf32>
      %add3A_224 = arith.addf %add3A_218, %mul3A_223 : vector<16xf32>
      %swap3A_225 = arith.constant 8 : i32
      %swap3A_226 = arith.index_cast %swap3A_225 : i32 to index
      %swap3A_227 = arith.index_cast %multiple_of3A : i32 to index
      %swap3A_228 = tpu.vector_load %arg7[%swap3A_226, %swap3A_227] {strides = array<i32>} : memref<32x512xf32, #tpu.memory_space<vmem>>, vector<16xf32>,
      tpu.vector_store %arg7[%swap3A_226, %swap3A_227], %add3A_224 {strides = array<i32>} : memref<32x512xf32, #tpu.memory_space<vmem>>, vector<16xf32>,
      %add3A_229 = arith.constant 9 : i32
      %add3A_230 = vector.broadcast %add3A_229 : i32 to vector<16xi32>
      %add3A_231 = arith.addi %convert_element_type3A, %add3A_230 : vector<16xi32>
      %gather3A_232 = tpu.vector_load_idx %arg6[%add3A_231] : memref<33792xf32, #tpu.memory_space<vmem>>[vector<16xi32>], vector<16xf32>,
      %mul3A_233 = arith.mulf %mul3A_39, %gather3A_232 : vector<16xf32>
      %add3A_234 = arith.constant 9 : i32
      %add3A_235 = vector.broadcast %add3A_234 : i32 to vector<16xi32>
      %add3A_236 = arith.addi %convert_element_type3A_30, %add3A_235 : vector<16xi32>
      %gather3A_237 = tpu.vector_load_idx %arg6[%add3A_236] : memref<33792xf32, #tpu.memory_space<vmem>>[vector<16xi32>], vector<16xf32>,
      %mul3A_238 = arith.mulf %mul3A_40, %gather3A_237 : vector<16xf32>
      %add3A_239 = arith.addf %mul3A_233, %mul3A_238 : vector<16xf32>
      %add3A_240 = arith.constant 9 : i32
      %add3A_241 = vector.broadcast %add3A_240 : i32 to vector<16xi32>
      %add3A_242 = arith.addi %convert_element_type3A_35, %add3A_241 : vector<16xi32>
      %gather3A_243 = tpu.vector_load_idx %arg6[%add3A_242] : memref<33792xf32, #tpu.memory_space<vmem>>[vector<16xi32>], vector<16xf32>,
      %mul3A_244 = arith.mulf %mul3A_41, %gather3A_243 : vector<16xf32>
      %add3A_245 = arith.addf %add3A_239, %mul3A_244 : vector<16xf32>
      %swap3A_246 = arith.constant 9 : i32
      %swap3A_247 = arith.index_cast %swap3A_246 : i32 to index
      %swap3A_248 = arith.index_cast %multiple_of3A : i32 to index
      %swap3A_249 = tpu.vector_load %arg7[%swap3A_247, %swap3A_248] {strides = array<i32>} : memref<32x512xf32, #tpu.memory_space<vmem>>, vector<16xf32>,
      tpu.vector_store %arg7[%swap3A_247, %swap3A_248], %add3A_245 {strides = array<i32>} : memref<32x512xf32, #tpu.memory_space<vmem>>, vector<16xf32>,
      %add3A_250 = arith.constant 10 : i32
      %add3A_251 = vector.broadcast %add3A_250 : i32 to vector<16xi32>
      %add3A_252 = arith.addi %convert_element_type3A, %add3A_251 : vector<16xi32>
      %gather3A_253 = tpu.vector_load_idx %arg6[%add3A_252] : memref<33792xf32, #tpu.memory_space<vmem>>[vector<16xi32>], vector<16xf32>,
      %mul3A_254 = arith.mulf %mul3A_39, %gather3A_253 : vector<16xf32>
      %add3A_255 = arith.constant 10 : i32
      %add3A_256 = vector.broadcast %add3A_255 : i32 to vector<16xi32>
      %add3A_257 = arith.addi %convert_element_type3A_30, %add3A_256 : vector<16xi32>
      %gather3A_258 = tpu.vector_load_idx %arg6[%add3A_257] : memref<33792xf32, #tpu.memory_space<vmem>>[vector<16xi32>], vector<16xf32>,
      %mul3A_259 = arith.mulf %mul3A_40, %gather3A_258 : vector<16xf32>
      %add3A_260 = arith.addf %mul3A_254, %mul3A_259 : vector<16xf32>
      %add3A_261 = arith.constant 10 : i32
      %add3A_262 = vector.broadcast %add3A_261 : i32 to vector<16xi32>
      %add3A_263 = arith.addi %convert_element_type3A_35, %add3A_262 : vector<16xi32>
      %gather3A_264 = tpu.vector_load_idx %arg6[%add3A_263] : memref<33792xf32, #tpu.memory_space<vmem>>[vector<16xi32>], vector<16xf32>,
      %mul3A_265 = arith.mulf %mul3A_41, %gather3A_264 : vector<16xf32>
      %add3A_266 = arith.addf %add3A_260, %mul3A_265 : vector<16xf32>
      %swap3A_267 = arith.constant 10 : i32
      %swap3A_268 = arith.index_cast %swap3A_267 : i32 to index
      %swap3A_269 = arith.index_cast %multiple_of3A : i32 to index
      %swap3A_270 = tpu.vector_load %arg7[%swap3A_268, %swap3A_269] {strides = array<i32>} : memref<32x512xf32, #tpu.memory_space<vmem>>, vector<16xf32>,
      tpu.vector_store %arg7[%swap3A_268, %swap3A_269], %add3A_266 {strides = array<i32>} : memref<32x512xf32, #tpu.memory_space<vmem>>, vector<16xf32>,
      %add3A_271 = arith.constant 11 : i32
      %add3A_272 = vector.broadcast %add3A_271 : i32 to vector<16xi32>
      %add3A_273 = arith.addi %convert_element_type3A, %add3A_272 : vector<16xi32>
      %gather3A_274 = tpu.vector_load_idx %arg6[%add3A_273] : memref<33792xf32, #tpu.memory_space<vmem>>[vector<16xi32>], vector<16xf32>,
      %mul3A_275 = arith.mulf %mul3A_39, %gather3A_274 : vector<16xf32>
      %add3A_276 = arith.constant 11 : i32
      %add3A_277 = vector.broadcast %add3A_276 : i32 to vector<16xi32>
      %add3A_278 = arith.addi %convert_element_type3A_30, %add3A_277 : vector<16xi32>
      %gather3A_279 = tpu.vector_load_idx %arg6[%add3A_278] : memref<33792xf32, #tpu.memory_space<vmem>>[vector<16xi32>], vector<16xf32>,
      %mul3A_280 = arith.mulf %mul3A_40, %gather3A_279 : vector<16xf32>
      %add3A_281 = arith.addf %mul3A_275, %mul3A_280 : vector<16xf32>
      %add3A_282 = arith.constant 11 : i32
      %add3A_283 = vector.broadcast %add3A_282 : i32 to vector<16xi32>
      %add3A_284 = arith.addi %convert_element_type3A_35, %add3A_283 : vector<16xi32>
      %gather3A_285 = tpu.vector_load_idx %arg6[%add3A_284] : memref<33792xf32, #tpu.memory_space<vmem>>[vector<16xi32>], vector<16xf32>,
      %mul3A_286 = arith.mulf %mul3A_41, %gather3A_285 : vector<16xf32>
      %add3A_287 = arith.addf %add3A_281, %mul3A_286 : vector<16xf32>
      %swap3A_288 = arith.constant 11 : i32
      %swap3A_289 = arith.index_cast %swap3A_288 : i32 to index
      %swap3A_290 = arith.index_cast %multiple_of3A : i32 to index
      %swap3A_291 = tpu.vector_load %arg7[%swap3A_289, %swap3A_290] {strides = array<i32>} : memref<32x512xf32, #tpu.memory_space<vmem>>, vector<16xf32>,
      tpu.vector_store %arg7[%swap3A_289, %swap3A_290], %add3A_287 {strides = array<i32>} : memref<32x512xf32, #tpu.memory_space<vmem>>, vector<16xf32>,
      %add3A_292 = arith.constant 12 : i32
      %add3A_293 = vector.broadcast %add3A_292 : i32 to vector<16xi32>
      %add3A_294 = arith.addi %convert_element_type3A, %add3A_293 : vector<16xi32>
      %gather3A_295 = tpu.vector_load_idx %arg6[%add3A_294] : memref<33792xf32, #tpu.memory_space<vmem>>[vector<16xi32>], vector<16xf32>,
      %mul3A_296 = arith.mulf %mul3A_39, %gather3A_295 : vector<16xf32>
      %add3A_297 = arith.constant 12 : i32
      %add3A_298 = vector.broadcast %add3A_297 : i32 to vector<16xi32>
      %add3A_299 = arith.addi %convert_element_type3A_30, %add3A_298 : vector<16xi32>
      %gather3A_300 = tpu.vector_load_idx %arg6[%add3A_299] : memref<33792xf32, #tpu.memory_space<vmem>>[vector<16xi32>], vector<16xf32>,
      %mul3A_301 = arith.mulf %mul3A_40, %gather3A_300 : vector<16xf32>
      %add3A_302 = arith.addf %mul3A_296, %mul3A_301 : vector<16xf32>
      %add3A_303 = arith.constant 12 : i32
      %add3A_304 = vector.broadcast %add3A_303 : i32 to vector<16xi32>
      %add3A_305 = arith.addi %convert_element_type3A_35, %add3A_304 : vector<16xi32>
      %gather3A_306 = tpu.vector_load_idx %arg6[%add3A_305] : memref<33792xf32, #tpu.memory_space<vmem>>[vector<16xi32>], vector<16xf32>,
      %mul3A_307 = arith.mulf %mul3A_41, %gather3A_306 : vector<16xf32>
      %add3A_308 = arith.addf %add3A_302, %mul3A_307 : vector<16xf32>
      %swap3A_309 = arith.constant 12 : i32
      %swap3A_310 = arith.index_cast %swap3A_309 : i32 to index
      %swap3A_311 = arith.index_cast %multiple_of3A : i32 to index
      %swap3A_312 = tpu.vector_load %arg7[%swap3A_310, %swap3A_311] {strides = array<i32>} : memref<32x512xf32, #tpu.memory_space<vmem>>, vector<16xf32>,
      tpu.vector_store %arg7[%swap3A_310, %swap3A_311], %add3A_308 {strides = array<i32>} : memref<32x512xf32, #tpu.memory_space<vmem>>, vector<16xf32>,
      %add3A_313 = arith.constant 13 : i32
      %add3A_314 = vector.broadcast %add3A_313 : i32 to vector<16xi32>
      %add3A_315 = arith.addi %convert_element_type3A, %add3A_314 : vector<16xi32>
      %gather3A_316 = tpu.vector_load_idx %arg6[%add3A_315] : memref<33792xf32, #tpu.memory_space<vmem>>[vector<16xi32>], vector<16xf32>,
      %mul3A_317 = arith.mulf %mul3A_39, %gather3A_316 : vector<16xf32>
      %add3A_318 = arith.constant 13 : i32
      %add3A_319 = vector.broadcast %add3A_318 : i32 to vector<16xi32>
      %add3A_320 = arith.addi %convert_element_type3A_30, %add3A_319 : vector<16xi32>
      %gather3A_321 = tpu.vector_load_idx %arg6[%add3A_320] : memref<33792xf32, #tpu.memory_space<vmem>>[vector<16xi32>], vector<16xf32>,
      %mul3A_322 = arith.mulf %mul3A_40, %gather3A_321 : vector<16xf32>
      %add3A_323 = arith.addf %mul3A_317, %mul3A_322 : vector<16xf32>
      %add3A_324 = arith.constant 13 : i32
      %add3A_325 = vector.broadcast %add3A_324 : i32 to vector<16xi32>
      %add3A_326 = arith.addi %convert_element_type3A_35, %add3A_325 : vector<16xi32>
      %gather3A_327 = tpu.vector_load_idx %arg6[%add3A_326] : memref<33792xf32, #tpu.memory_space<vmem>>[vector<16xi32>], vector<16xf32>,
      %mul3A_328 = arith.mulf %mul3A_41, %gather3A_327 : vector<16xf32>
      %add3A_329 = arith.addf %add3A_323, %mul3A_328 : vector<16xf32>
      %swap3A_330 = arith.constant 13 : i32
      %swap3A_331 = arith.index_cast %swap3A_330 : i32 to index
      %swap3A_332 = arith.index_cast %multiple_of3A : i32 to index
      %swap3A_333 = tpu.vector_load %arg7[%swap3A_331, %swap3A_332] {strides = array<i32>} : memref<32x512xf32, #tpu.memory_space<vmem>>, vector<16xf32>,
      tpu.vector_store %arg7[%swap3A_331, %swap3A_332], %add3A_329 {strides = array<i32>} : memref<32x512xf32, #tpu.memory_space<vmem>>, vector<16xf32>,
      %add3A_334 = arith.constant 14 : i32
      %add3A_335 = vector.broadcast %add3A_334 : i32 to vector<16xi32>
      %add3A_336 = arith.addi %convert_element_type3A, %add3A_335 : vector<16xi32>
      %gather3A_337 = tpu.vector_load_idx %arg6[%add3A_336] : memref<33792xf32, #tpu.memory_space<vmem>>[vector<16xi32>], vector<16xf32>,
      %mul3A_338 = arith.mulf %mul3A_39, %gather3A_337 : vector<16xf32>
      %add3A_339 = arith.constant 14 : i32
      %add3A_340 = vector.broadcast %add3A_339 : i32 to vector<16xi32>
      %add3A_341 = arith.addi %convert_element_type3A_30, %add3A_340 : vector<16xi32>
      %gather3A_342 = tpu.vector_load_idx %arg6[%add3A_341] : memref<33792xf32, #tpu.memory_space<vmem>>[vector<16xi32>], vector<16xf32>,
      %mul3A_343 = arith.mulf %mul3A_40, %gather3A_342 : vector<16xf32>
      %add3A_344 = arith.addf %mul3A_338, %mul3A_343 : vector<16xf32>
      %add3A_345 = arith.constant 14 : i32
      %add3A_346 = vector.broadcast %add3A_345 : i32 to vector<16xi32>
      %add3A_347 = arith.addi %convert_element_type3A_35, %add3A_346 : vector<16xi32>
      %gather3A_348 = tpu.vector_load_idx %arg6[%add3A_347] : memref<33792xf32, #tpu.memory_space<vmem>>[vector<16xi32>], vector<16xf32>,
      %mul3A_349 = arith.mulf %mul3A_41, %gather3A_348 : vector<16xf32>
      %add3A_350 = arith.addf %add3A_344, %mul3A_349 : vector<16xf32>
      %swap3A_351 = arith.constant 14 : i32
      %swap3A_352 = arith.index_cast %swap3A_351 : i32 to index
      %swap3A_353 = arith.index_cast %multiple_of3A : i32 to index
      %swap3A_354 = tpu.vector_load %arg7[%swap3A_352, %swap3A_353] {strides = array<i32>} : memref<32x512xf32, #tpu.memory_space<vmem>>, vector<16xf32>,
      tpu.vector_store %arg7[%swap3A_352, %swap3A_353], %add3A_350 {strides = array<i32>} : memref<32x512xf32, #tpu.memory_space<vmem>>, vector<16xf32>,
      %add3A_355 = arith.constant 15 : i32
      %add3A_356 = vector.broadcast %add3A_355 : i32 to vector<16xi32>
      %add3A_357 = arith.addi %convert_element_type3A, %add3A_356 : vector<16xi32>
      %gather3A_358 = tpu.vector_load_idx %arg6[%add3A_357] : memref<33792xf32, #tpu.memory_space<vmem>>[vector<16xi32>], vector<16xf32>,
      %mul3A_359 = arith.mulf %mul3A_39, %gather3A_358 : vector<16xf32>
      %add3A_360 = arith.constant 15 : i32
      %add3A_361 = vector.broadcast %add3A_360 : i32 to vector<16xi32>
      %add3A_362 = arith.addi %convert_element_type3A_30, %add3A_361 : vector<16xi32>
      %gather3A_363 = tpu.vector_load_idx %arg6[%add3A_362] : memref<33792xf32, #tpu.memory_space<vmem>>[vector<16xi32>], vector<16xf32>,
      %mul3A_364 = arith.mulf %mul3A_40, %gather3A_363 : vector<16xf32>
      %add3A_365 = arith.addf %mul3A_359, %mul3A_364 : vector<16xf32>
      %add3A_366 = arith.constant 15 : i32
      %add3A_367 = vector.broadcast %add3A_366 : i32 to vector<16xi32>
      %add3A_368 = arith.addi %convert_element_type3A_35, %add3A_367 : vector<16xi32>
      %gather3A_369 = tpu.vector_load_idx %arg6[%add3A_368] : memref<33792xf32, #tpu.memory_space<vmem>>[vector<16xi32>], vector<16xf32>,
      %mul3A_370 = arith.mulf %mul3A_41, %gather3A_369 : vector<16xf32>
      %add3A_371 = arith.addf %add3A_365, %mul3A_370 : vector<16xf32>
      %swap3A_372 = arith.constant 15 : i32
      %swap3A_373 = arith.index_cast %swap3A_372 : i32 to index
      %swap3A_374 = arith.index_cast %multiple_of3A : i32 to index
      %swap3A_375 = tpu.vector_load %arg7[%swap3A_373, %swap3A_374] {strides = array<i32>} : memref<32x512xf32, #tpu.memory_space<vmem>>, vector<16xf32>,
      tpu.vector_store %arg7[%swap3A_373, %swap3A_374], %add3A_371 {strides = array<i32>} : memref<32x512xf32, #tpu.memory_space<vmem>>, vector<16xf32>,
      %add3A_376 = arith.constant 16 : i32
      %add3A_377 = vector.broadcast %add3A_376 : i32 to vector<16xi32>
      %add3A_378 = arith.addi %convert_element_type3A, %add3A_377 : vector<16xi32>
      %gather3A_379 = tpu.vector_load_idx %arg6[%add3A_378] : memref<33792xf32, #tpu.memory_space<vmem>>[vector<16xi32>], vector<16xf32>,
      %mul3A_380 = arith.mulf %mul3A_39, %gather3A_379 : vector<16xf32>
      %add3A_381 = arith.constant 16 : i32
      %add3A_382 = vector.broadcast %add3A_381 : i32 to vector<16xi32>
      %add3A_383 = arith.addi %convert_element_type3A_30, %add3A_382 : vector<16xi32>
      %gather3A_384 = tpu.vector_load_idx %arg6[%add3A_383] : memref<33792xf32, #tpu.memory_space<vmem>>[vector<16xi32>], vector<16xf32>,
      %mul3A_385 = arith.mulf %mul3A_40, %gather3A_384 : vector<16xf32>
      %add3A_386 = arith.addf %mul3A_380, %mul3A_385 : vector<16xf32>
      %add3A_387 = arith.constant 16 : i32
      %add3A_388 = vector.broadcast %add3A_387 : i32 to vector<16xi32>
      %add3A_389 = arith.addi %convert_element_type3A_35, %add3A_388 : vector<16xi32>
      %gather3A_390 = tpu.vector_load_idx %arg6[%add3A_389] : memref<33792xf32, #tpu.memory_space<vmem>>[vector<16xi32>], vector<16xf32>,
      %mul3A_391 = arith.mulf %mul3A_41, %gather3A_390 : vector<16xf32>
      %add3A_392 = arith.addf %add3A_386, %mul3A_391 : vector<16xf32>
      %swap3A_393 = arith.constant 16 : i32
      %swap3A_394 = arith.index_cast %swap3A_393 : i32 to index
      %swap3A_395 = arith.index_cast %multiple_of3A : i32 to index
      %swap3A_396 = tpu.vector_load %arg7[%swap3A_394, %swap3A_395] {strides = array<i32>} : memref<32x512xf32, #tpu.memory_space<vmem>>, vector<16xf32>,
      tpu.vector_store %arg7[%swap3A_394, %swap3A_395], %add3A_392 {strides = array<i32>} : memref<32x512xf32, #tpu.memory_space<vmem>>, vector<16xf32>,
      %add3A_397 = arith.constant 17 : i32
      %add3A_398 = vector.broadcast %add3A_397 : i32 to vector<16xi32>
      %add3A_399 = arith.addi %convert_element_type3A, %add3A_398 : vector<16xi32>
      %gather3A_400 = tpu.vector_load_idx %arg6[%add3A_399] : memref<33792xf32, #tpu.memory_space<vmem>>[vector<16xi32>], vector<16xf32>,
      %mul3A_401 = arith.mulf %mul3A_39, %gather3A_400 : vector<16xf32>
      %add3A_402 = arith.constant 17 : i32
      %add3A_403 = vector.broadcast %add3A_402 : i32 to vector<16xi32>
      %add3A_404 = arith.addi %convert_element_type3A_30, %add3A_403 : vector<16xi32>
      %gather3A_405 = tpu.vector_load_idx %arg6[%add3A_404] : memref<33792xf32, #tpu.memory_space<vmem>>[vector<16xi32>], vector<16xf32>,
      %mul3A_406 = arith.mulf %mul3A_40, %gather3A_405 : vector<16xf32>
      %add3A_407 = arith.addf %mul3A_401, %mul3A_406 : vector<16xf32>
      %add3A_408 = arith.constant 17 : i32
      %add3A_409 = vector.broadcast %add3A_408 : i32 to vector<16xi32>
      %add3A_410 = arith.addi %convert_element_type3A_35, %add3A_409 : vector<16xi32>
      %gather3A_411 = tpu.vector_load_idx %arg6[%add3A_410] : memref<33792xf32, #tpu.memory_space<vmem>>[vector<16xi32>], vector<16xf32>,
      %mul3A_412 = arith.mulf %mul3A_41, %gather3A_411 : vector<16xf32>
      %add3A_413 = arith.addf %add3A_407, %mul3A_412 : vector<16xf32>
      %swap3A_414 = arith.constant 17 : i32
      %swap3A_415 = arith.index_cast %swap3A_414 : i32 to index
      %swap3A_416 = arith.index_cast %multiple_of3A : i32 to index
      %swap3A_417 = tpu.vector_load %arg7[%swap3A_415, %swap3A_416] {strides = array<i32>} : memref<32x512xf32, #tpu.memory_space<vmem>>, vector<16xf32>,
      tpu.vector_store %arg7[%swap3A_415, %swap3A_416], %add3A_413 {strides = array<i32>} : memref<32x512xf32, #tpu.memory_space<vmem>>, vector<16xf32>,
      %add3A_418 = arith.constant 18 : i32
      %add3A_419 = vector.broadcast %add3A_418 : i32 to vector<16xi32>
      %add3A_420 = arith.addi %convert_element_type3A, %add3A_419 : vector<16xi32>
      %gather3A_421 = tpu.vector_load_idx %arg6[%add3A_420] : memref<33792xf32, #tpu.memory_space<vmem>>[vector<16xi32>], vector<16xf32>,
      %mul3A_422 = arith.mulf %mul3A_39, %gather3A_421 : vector<16xf32>
      %add3A_423 = arith.constant 18 : i32
      %add3A_424 = vector.broadcast %add3A_423 : i32 to vector<16xi32>
      %add3A_425 = arith.addi %convert_element_type3A_30, %add3A_424 : vector<16xi32>
      %gather3A_426 = tpu.vector_load_idx %arg6[%add3A_425] : memref<33792xf32, #tpu.memory_space<vmem>>[vector<16xi32>], vector<16xf32>,
      %mul3A_427 = arith.mulf %mul3A_40, %gather3A_426 : vector<16xf32>
      %add3A_428 = arith.addf %mul3A_422, %mul3A_427 : vector<16xf32>
      %add3A_429 = arith.constant 18 : i32
      %add3A_430 = vector.broadcast %add3A_429 : i32 to vector<16xi32>
      %add3A_431 = arith.addi %convert_element_type3A_35, %add3A_430 : vector<16xi32>
      %gather3A_432 = tpu.vector_load_idx %arg6[%add3A_431] : memref<33792xf32, #tpu.memory_space<vmem>>[vector<16xi32>], vector<16xf32>,
      %mul3A_433 = arith.mulf %mul3A_41, %gather3A_432 : vector<16xf32>
      %add3A_434 = arith.addf %add3A_428, %mul3A_433 : vector<16xf32>
      %swap3A_435 = arith.constant 18 : i32
      %swap3A_436 = arith.index_cast %swap3A_435 : i32 to index
      %swap3A_437 = arith.index_cast %multiple_of3A : i32 to index
      %swap3A_438 = tpu.vector_load %arg7[%swap3A_436, %swap3A_437] {strides = array<i32>} : memref<32x512xf32, #tpu.memory_space<vmem>>, vector<16xf32>,
      tpu.vector_store %arg7[%swap3A_436, %swap3A_437], %add3A_434 {strides = array<i32>} : memref<32x512xf32, #tpu.memory_space<vmem>>, vector<16xf32>,
      %add3A_439 = arith.constant 19 : i32
      %add3A_440 = vector.broadcast %add3A_439 : i32 to vector<16xi32>
      %add3A_441 = arith.addi %convert_element_type3A, %add3A_440 : vector<16xi32>
      %gather3A_442 = tpu.vector_load_idx %arg6[%add3A_441] : memref<33792xf32, #tpu.memory_space<vmem>>[vector<16xi32>], vector<16xf32>,
      %mul3A_443 = arith.mulf %mul3A_39, %gather3A_442 : vector<16xf32>
      %add3A_444 = arith.constant 19 : i32
      %add3A_445 = vector.broadcast %add3A_444 : i32 to vector<16xi32>
      %add3A_446 = arith.addi %convert_element_type3A_30, %add3A_445 : vector<16xi32>
      %gather3A_447 = tpu.vector_load_idx %arg6[%add3A_446] : memref<33792xf32, #tpu.memory_space<vmem>>[vector<16xi32>], vector<16xf32>,
      %mul3A_448 = arith.mulf %mul3A_40, %gather3A_447 : vector<16xf32>
      %add3A_449 = arith.addf %mul3A_443, %mul3A_448 : vector<16xf32>
      %add3A_450 = arith.constant 19 : i32
      %add3A_451 = vector.broadcast %add3A_450 : i32 to vector<16xi32>
      %add3A_452 = arith.addi %convert_element_type3A_35, %add3A_451 : vector<16xi32>
      %gather3A_453 = tpu.vector_load_idx %arg6[%add3A_452] : memref<33792xf32, #tpu.memory_space<vmem>>[vector<16xi32>], vector<16xf32>,
      %mul3A_454 = arith.mulf %mul3A_41, %gather3A_453 : vector<16xf32>
      %add3A_455 = arith.addf %add3A_449, %mul3A_454 : vector<16xf32>
      %swap3A_456 = arith.constant 19 : i32
      %swap3A_457 = arith.index_cast %swap3A_456 : i32 to index
      %swap3A_458 = arith.index_cast %multiple_of3A : i32 to index
      %swap3A_459 = tpu.vector_load %arg7[%swap3A_457, %swap3A_458] {strides = array<i32>} : memref<32x512xf32, #tpu.memory_space<vmem>>, vector<16xf32>,
      tpu.vector_store %arg7[%swap3A_457, %swap3A_458], %add3A_455 {strides = array<i32>} : memref<32x512xf32, #tpu.memory_space<vmem>>, vector<16xf32>,
      %add3A_460 = arith.constant 20 : i32
      %add3A_461 = vector.broadcast %add3A_460 : i32 to vector<16xi32>
      %add3A_462 = arith.addi %convert_element_type3A, %add3A_461 : vector<16xi32>
      %gather3A_463 = tpu.vector_load_idx %arg6[%add3A_462] : memref<33792xf32, #tpu.memory_space<vmem>>[vector<16xi32>], vector<16xf32>,
      %mul3A_464 = arith.mulf %mul3A_39, %gather3A_463 : vector<16xf32>
      %add3A_465 = arith.constant 20 : i32
      %add3A_466 = vector.broadcast %add3A_465 : i32 to vector<16xi32>
      %add3A_467 = arith.addi %convert_element_type3A_30, %add3A_466 : vector<16xi32>
      %gather3A_468 = tpu.vector_load_idx %arg6[%add3A_467] : memref<33792xf32, #tpu.memory_space<vmem>>[vector<16xi32>], vector<16xf32>,
      %mul3A_469 = arith.mulf %mul3A_40, %gather3A_468 : vector<16xf32>
      %add3A_470 = arith.addf %mul3A_464, %mul3A_469 : vector<16xf32>
      %add3A_471 = arith.constant 20 : i32
      %add3A_472 = vector.broadcast %add3A_471 : i32 to vector<16xi32>
      %add3A_473 = arith.addi %convert_element_type3A_35, %add3A_472 : vector<16xi32>
      %gather3A_474 = tpu.vector_load_idx %arg6[%add3A_473] : memref<33792xf32, #tpu.memory_space<vmem>>[vector<16xi32>], vector<16xf32>,
      %mul3A_475 = arith.mulf %mul3A_41, %gather3A_474 : vector<16xf32>
      %add3A_476 = arith.addf %add3A_470, %mul3A_475 : vector<16xf32>
      %swap3A_477 = arith.constant 20 : i32
      %swap3A_478 = arith.index_cast %swap3A_477 : i32 to index
      %swap3A_479 = arith.index_cast %multiple_of3A : i32 to index
      %swap3A_480 = tpu.vector_load %arg7[%swap3A_478, %swap3A_479] {strides = array<i32>} : memref<32x512xf32, #tpu.memory_space<vmem>>, vector<16xf32>,
      tpu.vector_store %arg7[%swap3A_478, %swap3A_479], %add3A_476 {strides = array<i32>} : memref<32x512xf32, #tpu.memory_space<vmem>>, vector<16xf32>,
      %add3A_481 = arith.constant 21 : i32
      %add3A_482 = vector.broadcast %add3A_481 : i32 to vector<16xi32>
      %add3A_483 = arith.addi %convert_element_type3A, %add3A_482 : vector<16xi32>
      %gather3A_484 = tpu.vector_load_idx %arg6[%add3A_483] : memref<33792xf32, #tpu.memory_space<vmem>>[vector<16xi32>], vector<16xf32>,
      %mul3A_485 = arith.mulf %mul3A_39, %gather3A_484 : vector<16xf32>
      %add3A_486 = arith.constant 21 : i32
      %add3A_487 = vector.broadcast %add3A_486 : i32 to vector<16xi32>
      %add3A_488 = arith.addi %convert_element_type3A_30, %add3A_487 : vector<16xi32>
      %gather3A_489 = tpu.vector_load_idx %arg6[%add3A_488] : memref<33792xf32, #tpu.memory_space<vmem>>[vector<16xi32>], vector<16xf32>,
      %mul3A_490 = arith.mulf %mul3A_40, %gather3A_489 : vector<16xf32>
      %add3A_491 = arith.addf %mul3A_485, %mul3A_490 : vector<16xf32>
      %add3A_492 = arith.constant 21 : i32
      %add3A_493 = vector.broadcast %add3A_492 : i32 to vector<16xi32>
      %add3A_494 = arith.addi %convert_element_type3A_35, %add3A_493 : vector<16xi32>
      %gather3A_495 = tpu.vector_load_idx %arg6[%add3A_494] : memref<33792xf32, #tpu.memory_space<vmem>>[vector<16xi32>], vector<16xf32>,
      %mul3A_496 = arith.mulf %mul3A_41, %gather3A_495 : vector<16xf32>
      %add3A_497 = arith.addf %add3A_491, %mul3A_496 : vector<16xf32>
      %swap3A_498 = arith.constant 21 : i32
      %swap3A_499 = arith.index_cast %swap3A_498 : i32 to index
      %swap3A_500 = arith.index_cast %multiple_of3A : i32 to index
      %swap3A_501 = tpu.vector_load %arg7[%swap3A_499, %swap3A_500] {strides = array<i32>} : memref<32x512xf32, #tpu.memory_space<vmem>>, vector<16xf32>,
      tpu.vector_store %arg7[%swap3A_499, %swap3A_500], %add3A_497 {strides = array<i32>} : memref<32x512xf32, #tpu.memory_space<vmem>>, vector<16xf32>,
      %add3A_502 = arith.constant 22 : i32
      %add3A_503 = vector.broadcast %add3A_502 : i32 to vector<16xi32>
      %add3A_504 = arith.addi %convert_element_type3A, %add3A_503 : vector<16xi32>
      %gather3A_505 = tpu.vector_load_idx %arg6[%add3A_504] : memref<33792xf32, #tpu.memory_space<vmem>>[vector<16xi32>], vector<16xf32>,
      %mul3A_506 = arith.mulf %mul3A_39, %gather3A_505 : vector<16xf32>
      %add3A_507 = arith.constant 22 : i32
      %add3A_508 = vector.broadcast %add3A_507 : i32 to vector<16xi32>
      %add3A_509 = arith.addi %convert_element_type3A_30, %add3A_508 : vector<16xi32>
      %gather3A_510 = tpu.vector_load_idx %arg6[%add3A_509] : memref<33792xf32, #tpu.memory_space<vmem>>[vector<16xi32>], vector<16xf32>,
      %mul3A_511 = arith.mulf %mul3A_40, %gather3A_510 : vector<16xf32>
      %add3A_512 = arith.addf %mul3A_506, %mul3A_511 : vector<16xf32>
      %add3A_513 = arith.constant 22 : i32
      %add3A_514 = vector.broadcast %add3A_513 : i32 to vector<16xi32>
      %add3A_515 = arith.addi %convert_element_type3A_35, %add3A_514 : vector<16xi32>
      %gather3A_516 = tpu.vector_load_idx %arg6[%add3A_515] : memref<33792xf32, #tpu.memory_space<vmem>>[vector<16xi32>], vector<16xf32>,
      %mul3A_517 = arith.mulf %mul3A_41, %gather3A_516 : vector<16xf32>
      %add3A_518 = arith.addf %add3A_512, %mul3A_517 : vector<16xf32>
      %swap3A_519 = arith.constant 22 : i32
      %swap3A_520 = arith.index_cast %swap3A_519 : i32 to index
      %swap3A_521 = arith.index_cast %multiple_of3A : i32 to index
      %swap3A_522 = tpu.vector_load %arg7[%swap3A_520, %swap3A_521] {strides = array<i32>} : memref<32x512xf32, #tpu.memory_space<vmem>>, vector<16xf32>,
      tpu.vector_store %arg7[%swap3A_520, %swap3A_521], %add3A_518 {strides = array<i32>} : memref<32x512xf32, #tpu.memory_space<vmem>>, vector<16xf32>,
      %add3A_523 = arith.constant 23 : i32
      %add3A_524 = vector.broadcast %add3A_523 : i32 to vector<16xi32>
      %add3A_525 = arith.addi %convert_element_type3A, %add3A_524 : vector<16xi32>
      %gather3A_526 = tpu.vector_load_idx %arg6[%add3A_525] : memref<33792xf32, #tpu.memory_space<vmem>>[vector<16xi32>], vector<16xf32>,
      %mul3A_527 = arith.mulf %mul3A_39, %gather3A_526 : vector<16xf32>
      %add3A_528 = arith.constant 23 : i32
      %add3A_529 = vector.broadcast %add3A_528 : i32 to vector<16xi32>
      %add3A_530 = arith.addi %convert_element_type3A_30, %add3A_529 : vector<16xi32>
      %gather3A_531 = tpu.vector_load_idx %arg6[%add3A_530] : memref<33792xf32, #tpu.memory_space<vmem>>[vector<16xi32>], vector<16xf32>,
      %mul3A_532 = arith.mulf %mul3A_40, %gather3A_531 : vector<16xf32>
      %add3A_533 = arith.addf %mul3A_527, %mul3A_532 : vector<16xf32>
      %add3A_534 = arith.constant 23 : i32
      %add3A_535 = vector.broadcast %add3A_534 : i32 to vector<16xi32>
      %add3A_536 = arith.addi %convert_element_type3A_35, %add3A_535 : vector<16xi32>
      %gather3A_537 = tpu.vector_load_idx %arg6[%add3A_536] : memref<33792xf32, #tpu.memory_space<vmem>>[vector<16xi32>], vector<16xf32>,
      %mul3A_538 = arith.mulf %mul3A_41, %gather3A_537 : vector<16xf32>
      %add3A_539 = arith.addf %add3A_533, %mul3A_538 : vector<16xf32>
      %swap3A_540 = arith.constant 23 : i32
      %swap3A_541 = arith.index_cast %swap3A_540 : i32 to index
      %swap3A_542 = arith.index_cast %multiple_of3A : i32 to index
      %swap3A_543 = tpu.vector_load %arg7[%swap3A_541, %swap3A_542] {strides = array<i32>} : memref<32x512xf32, #tpu.memory_space<vmem>>, vector<16xf32>,
      tpu.vector_store %arg7[%swap3A_541, %swap3A_542], %add3A_539 {strides = array<i32>} : memref<32x512xf32, #tpu.memory_space<vmem>>, vector<16xf32>,
      %add3A_544 = arith.constant 24 : i32
      %add3A_545 = vector.broadcast %add3A_544 : i32 to vector<16xi32>
      %add3A_546 = arith.addi %convert_element_type3A, %add3A_545 : vector<16xi32>
      %gather3A_547 = tpu.vector_load_idx %arg6[%add3A_546] : memref<33792xf32, #tpu.memory_space<vmem>>[vector<16xi32>], vector<16xf32>,
      %mul3A_548 = arith.mulf %mul3A_39, %gather3A_547 : vector<16xf32>
      %add3A_549 = arith.constant 24 : i32
      %add3A_550 = vector.broadcast %add3A_549 : i32 to vector<16xi32>
      %add3A_551 = arith.addi %convert_element_type3A_30, %add3A_550 : vector<16xi32>
      %gather3A_552 = tpu.vector_load_idx %arg6[%add3A_551] : memref<33792xf32, #tpu.memory_space<vmem>>[vector<16xi32>], vector<16xf32>,
      %mul3A_553 = arith.mulf %mul3A_40, %gather3A_552 : vector<16xf32>
      %add3A_554 = arith.addf %mul3A_548, %mul3A_553 : vector<16xf32>
      %add3A_555 = arith.constant 24 : i32
      %add3A_556 = vector.broadcast %add3A_555 : i32 to vector<16xi32>
      %add3A_557 = arith.addi %convert_element_type3A_35, %add3A_556 : vector<16xi32>
      %gather3A_558 = tpu.vector_load_idx %arg6[%add3A_557] : memref<33792xf32, #tpu.memory_space<vmem>>[vector<16xi32>], vector<16xf32>,
      %mul3A_559 = arith.mulf %mul3A_41, %gather3A_558 : vector<16xf32>
      %add3A_560 = arith.addf %add3A_554, %mul3A_559 : vector<16xf32>
      %swap3A_561 = arith.constant 24 : i32
      %swap3A_562 = arith.index_cast %swap3A_561 : i32 to index
      %swap3A_563 = arith.index_cast %multiple_of3A : i32 to index
      %swap3A_564 = tpu.vector_load %arg7[%swap3A_562, %swap3A_563] {strides = array<i32>} : memref<32x512xf32, #tpu.memory_space<vmem>>, vector<16xf32>,
      tpu.vector_store %arg7[%swap3A_562, %swap3A_563], %add3A_560 {strides = array<i32>} : memref<32x512xf32, #tpu.memory_space<vmem>>, vector<16xf32>,
      %add3A_565 = arith.constant 25 : i32
      %add3A_566 = vector.broadcast %add3A_565 : i32 to vector<16xi32>
      %add3A_567 = arith.addi %convert_element_type3A, %add3A_566 : vector<16xi32>
      %gather3A_568 = tpu.vector_load_idx %arg6[%add3A_567] : memref<33792xf32, #tpu.memory_space<vmem>>[vector<16xi32>], vector<16xf32>,
      %mul3A_569 = arith.mulf %mul3A_39, %gather3A_568 : vector<16xf32>
      %add3A_570 = arith.constant 25 : i32
      %add3A_571 = vector.broadcast %add3A_570 : i32 to vector<16xi32>
      %add3A_572 = arith.addi %convert_element_type3A_30, %add3A_571 : vector<16xi32>
      %gather3A_573 = tpu.vector_load_idx %arg6[%add3A_572] : memref<33792xf32, #tpu.memory_space<vmem>>[vector<16xi32>], vector<16xf32>,
      %mul3A_574 = arith.mulf %mul3A_40, %gather3A_573 : vector<16xf32>
      %add3A_575 = arith.addf %mul3A_569, %mul3A_574 : vector<16xf32>
      %add3A_576 = arith.constant 25 : i32
      %add3A_577 = vector.broadcast %add3A_576 : i32 to vector<16xi32>
      %add3A_578 = arith.addi %convert_element_type3A_35, %add3A_577 : vector<16xi32>
      %gather3A_579 = tpu.vector_load_idx %arg6[%add3A_578] : memref<33792xf32, #tpu.memory_space<vmem>>[vector<16xi32>], vector<16xf32>,
      %mul3A_580 = arith.mulf %mul3A_41, %gather3A_579 : vector<16xf32>
      %add3A_581 = arith.addf %add3A_575, %mul3A_580 : vector<16xf32>
      %swap3A_582 = arith.constant 25 : i32
      %swap3A_583 = arith.index_cast %swap3A_582 : i32 to index
      %swap3A_584 = arith.index_cast %multiple_of3A : i32 to index
      %swap3A_585 = tpu.vector_load %arg7[%swap3A_583, %swap3A_584] {strides = array<i32>} : memref<32x512xf32, #tpu.memory_space<vmem>>, vector<16xf32>,
      tpu.vector_store %arg7[%swap3A_583, %swap3A_584], %add3A_581 {strides = array<i32>} : memref<32x512xf32, #tpu.memory_space<vmem>>, vector<16xf32>,
      %add3A_586 = arith.constant 26 : i32
      %add3A_587 = vector.broadcast %add3A_586 : i32 to vector<16xi32>
      %add3A_588 = arith.addi %convert_element_type3A, %add3A_587 : vector<16xi32>
      %gather3A_589 = tpu.vector_load_idx %arg6[%add3A_588] : memref<33792xf32, #tpu.memory_space<vmem>>[vector<16xi32>], vector<16xf32>,
      %mul3A_590 = arith.mulf %mul3A_39, %gather3A_589 : vector<16xf32>
      %add3A_591 = arith.constant 26 : i32
      %add3A_592 = vector.broadcast %add3A_591 : i32 to vector<16xi32>
      %add3A_593 = arith.addi %convert_element_type3A_30, %add3A_592 : vector<16xi32>
      %gather3A_594 = tpu.vector_load_idx %arg6[%add3A_593] : memref<33792xf32, #tpu.memory_space<vmem>>[vector<16xi32>], vector<16xf32>,
      %mul3A_595 = arith.mulf %mul3A_40, %gather3A_594 : vector<16xf32>
      %add3A_596 = arith.addf %mul3A_590, %mul3A_595 : vector<16xf32>
      %add3A_597 = arith.constant 26 : i32
      %add3A_598 = vector.broadcast %add3A_597 : i32 to vector<16xi32>
      %add3A_599 = arith.addi %convert_element_type3A_35, %add3A_598 : vector<16xi32>
      %gather3A_600 = tpu.vector_load_idx %arg6[%add3A_599] : memref<33792xf32, #tpu.memory_space<vmem>>[vector<16xi32>], vector<16xf32>,
      %mul3A_601 = arith.mulf %mul3A_41, %gather3A_600 : vector<16xf32>
      %add3A_602 = arith.addf %add3A_596, %mul3A_601 : vector<16xf32>
      %swap3A_603 = arith.constant 26 : i32
      %swap3A_604 = arith.index_cast %swap3A_603 : i32 to index
      %swap3A_605 = arith.index_cast %multiple_of3A : i32 to index
      %swap3A_606 = tpu.vector_load %arg7[%swap3A_604, %swap3A_605] {strides = array<i32>} : memref<32x512xf32, #tpu.memory_space<vmem>>, vector<16xf32>,
      tpu.vector_store %arg7[%swap3A_604, %swap3A_605], %add3A_602 {strides = array<i32>} : memref<32x512xf32, #tpu.memory_space<vmem>>, vector<16xf32>,
      %add3A_607 = arith.constant 27 : i32
      %add3A_608 = vector.broadcast %add3A_607 : i32 to vector<16xi32>
      %add3A_609 = arith.addi %convert_element_type3A, %add3A_608 : vector<16xi32>
      %gather3A_610 = tpu.vector_load_idx %arg6[%add3A_609] : memref<33792xf32, #tpu.memory_space<vmem>>[vector<16xi32>], vector<16xf32>,
      %mul3A_611 = arith.mulf %mul3A_39, %gather3A_610 : vector<16xf32>
      %add3A_612 = arith.constant 27 : i32
      %add3A_613 = vector.broadcast %add3A_612 : i32 to vector<16xi32>
      %add3A_614 = arith.addi %convert_element_type3A_30, %add3A_613 : vector<16xi32>
      %gather3A_615 = tpu.vector_load_idx %arg6[%add3A_614] : memref<33792xf32, #tpu.memory_space<vmem>>[vector<16xi32>], vector<16xf32>,
      %mul3A_616 = arith.mulf %mul3A_40, %gather3A_615 : vector<16xf32>
      %add3A_617 = arith.addf %mul3A_611, %mul3A_616 : vector<16xf32>
      %add3A_618 = arith.constant 27 : i32
      %add3A_619 = vector.broadcast %add3A_618 : i32 to vector<16xi32>
      %add3A_620 = arith.addi %convert_element_type3A_35, %add3A_619 : vector<16xi32>
      %gather3A_621 = tpu.vector_load_idx %arg6[%add3A_620] : memref<33792xf32, #tpu.memory_space<vmem>>[vector<16xi32>], vector<16xf32>,
      %mul3A_622 = arith.mulf %mul3A_41, %gather3A_621 : vector<16xf32>
      %add3A_623 = arith.addf %add3A_617, %mul3A_622 : vector<16xf32>
      %swap3A_624 = arith.constant 27 : i32
      %swap3A_625 = arith.index_cast %swap3A_624 : i32 to index
      %swap3A_626 = arith.index_cast %multiple_of3A : i32 to index
      %swap3A_627 = tpu.vector_load %arg7[%swap3A_625, %swap3A_626] {strides = array<i32>} : memref<32x512xf32, #tpu.memory_space<vmem>>, vector<16xf32>,
      tpu.vector_store %arg7[%swap3A_625, %swap3A_626], %add3A_623 {strides = array<i32>} : memref<32x512xf32, #tpu.memory_space<vmem>>, vector<16xf32>,
      %add3A_628 = arith.constant 28 : i32
      %add3A_629 = vector.broadcast %add3A_628 : i32 to vector<16xi32>
      %add3A_630 = arith.addi %convert_element_type3A, %add3A_629 : vector<16xi32>
      %gather3A_631 = tpu.vector_load_idx %arg6[%add3A_630] : memref<33792xf32, #tpu.memory_space<vmem>>[vector<16xi32>], vector<16xf32>,
      %mul3A_632 = arith.mulf %mul3A_39, %gather3A_631 : vector<16xf32>
      %add3A_633 = arith.constant 28 : i32
      %add3A_634 = vector.broadcast %add3A_633 : i32 to vector<16xi32>
      %add3A_635 = arith.addi %convert_element_type3A_30, %add3A_634 : vector<16xi32>
      %gather3A_636 = tpu.vector_load_idx %arg6[%add3A_635] : memref<33792xf32, #tpu.memory_space<vmem>>[vector<16xi32>], vector<16xf32>,
      %mul3A_637 = arith.mulf %mul3A_40, %gather3A_636 : vector<16xf32>
      %add3A_638 = arith.addf %mul3A_632, %mul3A_637 : vector<16xf32>
      %add3A_639 = arith.constant 28 : i32
      %add3A_640 = vector.broadcast %add3A_639 : i32 to vector<16xi32>
      %add3A_641 = arith.addi %convert_element_type3A_35, %add3A_640 : vector<16xi32>
      %gather3A_642 = tpu.vector_load_idx %arg6[%add3A_641] : memref<33792xf32, #tpu.memory_space<vmem>>[vector<16xi32>], vector<16xf32>,
      %mul3A_643 = arith.mulf %mul3A_41, %gather3A_642 : vector<16xf32>
      %add3A_644 = arith.addf %add3A_638, %mul3A_643 : vector<16xf32>
      %swap3A_645 = arith.constant 28 : i32
      %swap3A_646 = arith.index_cast %swap3A_645 : i32 to index
      %swap3A_647 = arith.index_cast %multiple_of3A : i32 to index
      %swap3A_648 = tpu.vector_load %arg7[%swap3A_646, %swap3A_647] {strides = array<i32>} : memref<32x512xf32, #tpu.memory_space<vmem>>, vector<16xf32>,
      tpu.vector_store %arg7[%swap3A_646, %swap3A_647], %add3A_644 {strides = array<i32>} : memref<32x512xf32, #tpu.memory_space<vmem>>, vector<16xf32>,
      %add3A_649 = arith.constant 29 : i32
      %add3A_650 = vector.broadcast %add3A_649 : i32 to vector<16xi32>
      %add3A_651 = arith.addi %convert_element_type3A, %add3A_650 : vector<16xi32>
      %gather3A_652 = tpu.vector_load_idx %arg6[%add3A_651] : memref<33792xf32, #tpu.memory_space<vmem>>[vector<16xi32>], vector<16xf32>,
      %mul3A_653 = arith.mulf %mul3A_39, %gather3A_652 : vector<16xf32>
      %add3A_654 = arith.constant 29 : i32
      %add3A_655 = vector.broadcast %add3A_654 : i32 to vector<16xi32>
      %add3A_656 = arith.addi %convert_element_type3A_30, %add3A_655 : vector<16xi32>
      %gather3A_657 = tpu.vector_load_idx %arg6[%add3A_656] : memref<33792xf32, #tpu.memory_space<vmem>>[vector<16xi32>], vector<16xf32>,
      %mul3A_658 = arith.mulf %mul3A_40, %gather3A_657 : vector<16xf32>
      %add3A_659 = arith.addf %mul3A_653, %mul3A_658 : vector<16xf32>
      %add3A_660 = arith.constant 29 : i32
      %add3A_661 = vector.broadcast %add3A_660 : i32 to vector<16xi32>
      %add3A_662 = arith.addi %convert_element_type3A_35, %add3A_661 : vector<16xi32>
      %gather3A_663 = tpu.vector_load_idx %arg6[%add3A_662] : memref<33792xf32, #tpu.memory_space<vmem>>[vector<16xi32>], vector<16xf32>,
      %mul3A_664 = arith.mulf %mul3A_41, %gather3A_663 : vector<16xf32>
      %add3A_665 = arith.addf %add3A_659, %mul3A_664 : vector<16xf32>
      %swap3A_666 = arith.constant 29 : i32
      %swap3A_667 = arith.index_cast %swap3A_666 : i32 to index
      %swap3A_668 = arith.index_cast %multiple_of3A : i32 to index
      %swap3A_669 = tpu.vector_load %arg7[%swap3A_667, %swap3A_668] {strides = array<i32>} : memref<32x512xf32, #tpu.memory_space<vmem>>, vector<16xf32>,
      tpu.vector_store %arg7[%swap3A_667, %swap3A_668], %add3A_665 {strides = array<i32>} : memref<32x512xf32, #tpu.memory_space<vmem>>, vector<16xf32>,
      %add3A_670 = arith.constant 30 : i32
      %add3A_671 = vector.broadcast %add3A_670 : i32 to vector<16xi32>
      %add3A_672 = arith.addi %convert_element_type3A, %add3A_671 : vector<16xi32>
      %gather3A_673 = tpu.vector_load_idx %arg6[%add3A_672] : memref<33792xf32, #tpu.memory_space<vmem>>[vector<16xi32>], vector<16xf32>,
      %mul3A_674 = arith.mulf %mul3A_39, %gather3A_673 : vector<16xf32>
      %add3A_675 = arith.constant 30 : i32
      %add3A_676 = vector.broadcast %add3A_675 : i32 to vector<16xi32>
      %add3A_677 = arith.addi %convert_element_type3A_30, %add3A_676 : vector<16xi32>
      %gather3A_678 = tpu.vector_load_idx %arg6[%add3A_677] : memref<33792xf32, #tpu.memory_space<vmem>>[vector<16xi32>], vector<16xf32>,
      %mul3A_679 = arith.mulf %mul3A_40, %gather3A_678 : vector<16xf32>
      %add3A_680 = arith.addf %mul3A_674, %mul3A_679 : vector<16xf32>
      %add3A_681 = arith.constant 30 : i32
      %add3A_682 = vector.broadcast %add3A_681 : i32 to vector<16xi32>
      %add3A_683 = arith.addi %convert_element_type3A_35, %add3A_682 : vector<16xi32>
      %gather3A_684 = tpu.vector_load_idx %arg6[%add3A_683] : memref<33792xf32, #tpu.memory_space<vmem>>[vector<16xi32>], vector<16xf32>,
      %mul3A_685 = arith.mulf %mul3A_41, %gather3A_684 : vector<16xf32>
      %add3A_686 = arith.addf %add3A_680, %mul3A_685 : vector<16xf32>
      %swap3A_687 = arith.constant 30 : i32
      %swap3A_688 = arith.index_cast %swap3A_687 : i32 to index
      %swap3A_689 = arith.index_cast %multiple_of3A : i32 to index
      %swap3A_690 = tpu.vector_load %arg7[%swap3A_688, %swap3A_689] {strides = array<i32>} : memref<32x512xf32, #tpu.memory_space<vmem>>, vector<16xf32>,
      tpu.vector_store %arg7[%swap3A_688, %swap3A_689], %add3A_686 {strides = array<i32>} : memref<32x512xf32, #tpu.memory_space<vmem>>, vector<16xf32>,
      %add3A_691 = arith.constant 31 : i32
      %add3A_692 = vector.broadcast %add3A_691 : i32 to vector<16xi32>
      %add3A_693 = arith.addi %convert_element_type3A, %add3A_692 : vector<16xi32>
      %gather3A_694 = tpu.vector_load_idx %arg6[%add3A_693] : memref<33792xf32, #tpu.memory_space<vmem>>[vector<16xi32>], vector<16xf32>,
      %mul3A_695 = arith.mulf %mul3A_39, %gather3A_694 : vector<16xf32>
      %add3A_696 = arith.constant 31 : i32
      %add3A_697 = vector.broadcast %add3A_696 : i32 to vector<16xi32>
      %add3A_698 = arith.addi %convert_element_type3A_30, %add3A_697 : vector<16xi32>
      %gather3A_699 = tpu.vector_load_idx %arg6[%add3A_698] : memref<33792xf32, #tpu.memory_space<vmem>>[vector<16xi32>], vector<16xf32>,
      %mul3A_700 = arith.mulf %mul3A_40, %gather3A_699 : vector<16xf32>
      %add3A_701 = arith.addf %mul3A_695, %mul3A_700 : vector<16xf32>
      %add3A_702 = arith.constant 31 : i32
      %add3A_703 = vector.broadcast %add3A_702 : i32 to vector<16xi32>
      %add3A_704 = arith.addi %convert_element_type3A_35, %add3A_703 : vector<16xi32>
      %gather3A_705 = tpu.vector_load_idx %arg6[%add3A_704] : memref<33792xf32, #tpu.memory_space<vmem>>[vector<16xi32>], vector<16xf32>,
      %mul3A_706 = arith.mulf %mul3A_41, %gather3A_705 : vector<16xf32>
      %add3A_707 = arith.addf %add3A_701, %mul3A_706 : vector<16xf32>
      %swap3A_708 = arith.constant 31 : i32
      %swap3A_709 = arith.index_cast %swap3A_708 : i32 to index
      %swap3A_710 = arith.index_cast %multiple_of3A : i32 to index
      %swap3A_711 = tpu.vector_load %arg7[%swap3A_709, %swap3A_710] {strides = array<i32>} : memref<32x512xf32, #tpu.memory_space<vmem>>, vector<16xf32>,
      tpu.vector_store %arg7[%swap3A_709, %swap3A_710], %add3A_707 {strides = array<i32>} : memref<32x512xf32, #tpu.memory_space<vmem>>, vector<16xf32>,
    }
    %scan3A_7 = arith.constant 32 : i32
    "tpu.region"() ({
      %run_scoped3A = tpu.sem_alloc : memref<!tpu.dma_semaphore, #tpu.memory_space<semaphore_mem>>
      %dma_start3A = arith.constant 0 : i32
      %dma_start3A_8 = tpu.memref_slice %arg4[%arg0, %dma_start3A, %mul3A_0] : memref<2x32x8192xf32, #tpu.memory_space<hbm>> -> memref<1x32x512xf32, #tpu.memory_space<hbm>>
      %dma_start3A_9 = tpu.memref_squeeze %dma_start3A_8 : memref<1x32x512xf32, #tpu.memory_space<hbm>> -> memref<32x512xf32, #tpu.memory_space<hbm>>
      %dma_start3A_10 = arith.constant 0 : i32
      %dma_start3A_11 = tpu.memref_slice %arg4[%arg0, %dma_start3A_10, %mul3A_0] : memref<2x32x8192xf32, #tpu.memory_space<hbm>> -> memref<1x32x512xf32, #tpu.memory_space<hbm>>
      %dma_start3A_12 = tpu.memref_squeeze %dma_start3A_11 : memref<1x32x512xf32, #tpu.memory_space<hbm>> -> memref<32x512xf32, #tpu.memory_space<hbm>>
      tpu.enqueue_dma source(%arg7 : memref<32x512xf32, #tpu.memory_space<vmem>>) target(%dma_start3A_12 : memref<32x512xf32, #tpu.memory_space<hbm>>) target_semaphore(%run_scoped3A : memref<!tpu.dma_semaphore, #tpu.memory_space<semaphore_mem>>)
      %dma_wait3A = arith.constant 0 : i32
      %dma_wait3A_13 = tpu.memref_slice %arg4[%arg0, %dma_wait3A, %mul3A_0] : memref<2x32x8192xf32, #tpu.memory_space<hbm>> -> memref<1x32x512xf32, #tpu.memory_space<hbm>>
      %dma_wait3A_14 = tpu.memref_squeeze %dma_wait3A_13 : memref<1x32x512xf32, #tpu.memory_space<hbm>> -> memref<32x512xf32, #tpu.memory_space<hbm>>
      %dma_wait3A_15 = arith.constant 0 : i32
      %dma_wait3A_16 = tpu.memref_slice %arg4[%arg0, %dma_wait3A_15, %mul3A_0] : memref<2x32x8192xf32, #tpu.memory_space<hbm>> -> memref<1x32x512xf32, #tpu.memory_space<hbm>>
      %dma_wait3A_17 = tpu.memref_squeeze %dma_wait3A_16 : memref<1x32x512xf32, #tpu.memory_space<hbm>> -> memref<32x512xf32, #tpu.memory_space<hbm>>
      tpu.wait_dma2 semaphore(%run_scoped3A : memref<!tpu.dma_semaphore, #tpu.memory_space<semaphore_mem>>) src(%arg7 : memref<32x512xf32, #tpu.memory_space<vmem>>) dst(%dma_wait3A_17 : memref<32x512xf32, #tpu.memory_space<hbm>>)
      tpu.yield
    }) : () -> ()
    return
  }
}

module attributes {stable_mosaic.version = 14 : i64} {
  func.func @_tc_knn_body(%arg0: i32, %arg1: i32, %arg2: memref<1x1024x3xf32, #tpu.memory_space<vmem>>, %arg3: memref<1x1024x3xf32, #tpu.memory_space<vmem>>, %arg4: memref<1x8x1024xf32, #tpu.memory_space<vmem>>) attributes {dimension_semantics = [#tpu.dimension_semantics<arbitrary>, #tpu.dimension_semantics<arbitrary>], iteration_bounds = array<i64: 2, 8>, scalar_prefetch = 0 : i64, scratch_operands = 0 : i64, tpu.core_type = #tpu.core_type<tc>, window_params = [{transform_indices = @transform_0, window_bounds = array<i64: 1, 1024, 3>}, {transform_indices = @transform_1, window_bounds = array<i64: 1, 1024, 3>}, {transform_indices = @transform_2, window_bounds = array<i64: 1, 8, 1024>}]} {
    %get3A = arith.constant 0 : index
    %get3A_0 = arith.constant 0 : index
    %get3A_1 = arith.constant 0 : index
    %get3A_2 = vector.load %arg2[%get3A, %get3A_0, %get3A_1] : memref<1x1024x3xf32, #tpu.memory_space<vmem>>, vector<1x1024x3xf32>
    %get3A_3 = vector.shape_cast %get3A_2 : vector<1x1024x3xf32> to vector<1024x3xf32>
    %get3A_4 = arith.constant 0 : index
    %get3A_5 = arith.constant 0 : index
    %get3A_6 = arith.constant 0 : index
    %get3A_7 = vector.load %arg3[%get3A_4, %get3A_5, %get3A_6] : memref<1x1024x3xf32, #tpu.memory_space<vmem>>, vector<1x1024x3xf32>
    %get3A_8 = vector.shape_cast %get3A_7 : vector<1x1024x3xf32> to vector<1024x3xf32>
    %transpose3A = tpu.transpose %get3A_8, [1, 0] : vector<1024x3xf32> -> vector<3x1024xf32>
    %dot_general3A = arith.constant dense<0.000000e+00> : vector<1024x1024xf32>
    %dot_general3A_9 = tpu.matmul %get3A_3, %transpose3A, %dot_general3A {dimension_numbers = #tpu.dot_dimension_numbers<[1], [0], [0], [1], [0, 0, 1, 1], [], []>, transpose_lhs_hint = false} : vector<1024x3xf32>, vector<3x1024xf32>, vector<1024x1024xf32> -> vector<1024x1024xf32>
    %mul3A = arith.mulf %transpose3A, %transpose3A : vector<3x1024xf32>
    %reduce_sum3A = arith.constant dense<0.000000e+00> : vector<1024xf32>
    %reduce_sum3A_10 = vector.multi_reduction <add>, %mul3A, %reduce_sum3A [0] : vector<3x1024xf32> to vector<1024xf32>
    %broadcast_in_dim3A = vector.shape_cast %reduce_sum3A_10 : vector<1024xf32> to vector<1x1024xf32>
    %mul3A_11 = arith.mulf %get3A_3, %get3A_3 : vector<1024x3xf32>
    %reduce_sum3A_12 = arith.constant dense<0.000000e+00> : vector<1024xf32>
    %reduce_sum3A_13 = vector.multi_reduction <add>, %mul3A_11, %reduce_sum3A_12 [1] : vector<1024x3xf32> to vector<1024xf32>
    %broadcast_in_dim3A_14 = vector.shape_cast %reduce_sum3A_13 : vector<1024xf32> to vector<1024x1xf32>
    %mul3A_15 = arith.constant -2.000000e+00 : f32
    %mul3A_16 = vector.broadcast %mul3A_15 : f32 to vector<1024x1024xf32>
    %mul3A_17 = arith.mulf %mul3A_16, %dot_general3A_9 : vector<1024x1024xf32>
    %add3A = vector.broadcast %broadcast_in_dim3A : vector<1x1024xf32> to vector<1024x1024xf32>
    %add3A_18 = arith.addf %mul3A_17, %add3A : vector<1024x1024xf32>
    %add3A_19 = vector.broadcast %broadcast_in_dim3A_14 : vector<1024x1xf32> to vector<1024x1024xf32>
    %add3A_20 = arith.addf %add3A_18, %add3A_19 : vector<1024x1024xf32>
    %jit3A = arith.constant 1.000000e-16 : f32
    %max3A = vector.broadcast %jit3A : f32 to vector<1024x1024xf32>
    %max3A_21 = arith.maximumf %max3A, %add3A_20 : vector<1024x1024xf32>
    %iota3A = tpu.iota {dimensions = array<i32: 0>} : vector<1024x1024xi32>
    %reduce_min3A = arith.constant dense<0x7F800000> : vector<1024xf32>
    %reduce_min3A_22 = vector.multi_reduction <minimumf>, %max3A_21, %reduce_min3A [0] : vector<1024x1024xf32> to vector<1024xf32>
    %broadcast_in_dim3A_23 = vector.shape_cast %reduce_min3A_22 : vector<1024xf32> to vector<1x1024xf32>
    %eq3A = vector.broadcast %broadcast_in_dim3A_23 : vector<1x1024xf32> to vector<1024x1024xf32>
    %eq3A_24 = arith.cmpf oeq, %max3A_21, %eq3A : vector<1024x1024xf32>
    %jit3A_25 = arith.constant 1073741824 : i32
    %broadcast_in_dim3A_26 = vector.broadcast %jit3A_25 : i32 to vector<1024x1024xi32>
    %select_n3A = arith.select %eq3A_24, %iota3A, %broadcast_in_dim3A_26 : vector<1024x1024xi1>, vector<1024x1024xi32>
    %reduce_min3A_27 = arith.constant dense<2147483647> : vector<1024xi32>
    %reduce_min3A_28 = vector.multi_reduction <minsi>, %select_n3A, %reduce_min3A_27 [0] : vector<1024x1024xi32> to vector<1024xi32>
    %broadcast_in_dim3A_29 = vector.shape_cast %reduce_min3A_28 : vector<1024xi32> to vector<1x1024xi32>
    %div3A = arith.constant 1.000000e+00 : f32
    %div3A_30 = vector.broadcast %div3A : f32 to vector<1x1024xf32>
    %div3A_31 = arith.divf %div3A_30, %broadcast_in_dim3A_23 : vector<1x1024xf32>
    %squeeze3A = vector.shape_cast %div3A_31 : vector<1x1024xf32> to vector<1024xf32>
    %swap3A = arith.constant 0 : index
    %swap3A_32 = arith.constant 0 : index
    %swap3A_33 = arith.constant 0 : index
    %swap3A_34 = vector.load %arg4[%swap3A, %swap3A_32, %swap3A_33] : memref<1x8x1024xf32, #tpu.memory_space<vmem>>, vector<1x1x1024xf32>
    %swap3A_35 = vector.shape_cast %swap3A_34 : vector<1x1x1024xf32> to vector<1024xf32>
    %swap3A_36 = vector.shape_cast %squeeze3A : vector<1024xf32> to vector<1x1x1024xf32>
    tpu.vector_store %arg4[%swap3A, %swap3A_32, %swap3A_33], %swap3A_36 {strides = array<i32>} : memref<1x8x1024xf32, #tpu.memory_space<vmem>>, vector<1x1x1024xf32>,
    %mul3A_37 = arith.constant 33 : i32
    %mul3A_38 = vector.broadcast %mul3A_37 : i32 to vector<1x1024xi32>
    %mul3A_39 = arith.muli %broadcast_in_dim3A_29, %mul3A_38 : vector<1x1024xi32>
    %convert_element_type3A = arith.sitofp %mul3A_39 : vector<1x1024xi32> to vector<1x1024xf32>
    %squeeze3A_40 = vector.shape_cast %convert_element_type3A : vector<1x1024xf32> to vector<1024xf32>
    %swap3A_41 = arith.constant 0 : index
    %swap3A_42 = arith.constant 3 : index
    %swap3A_43 = arith.constant 0 : index
    %swap3A_44 = vector.load %arg4[%swap3A_41, %swap3A_42, %swap3A_43] : memref<1x8x1024xf32, #tpu.memory_space<vmem>>, vector<1x1x1024xf32>
    %swap3A_45 = vector.shape_cast %swap3A_44 : vector<1x1x1024xf32> to vector<1024xf32>
    %swap3A_46 = vector.shape_cast %squeeze3A_40 : vector<1024xf32> to vector<1x1x1024xf32>
    tpu.vector_store %arg4[%swap3A_41, %swap3A_42, %swap3A_43], %swap3A_46 {strides = array<i32>} : memref<1x8x1024xf32, #tpu.memory_space<vmem>>, vector<1x1x1024xf32>,
    %eq3A_47 = vector.broadcast %broadcast_in_dim3A_29 : vector<1x1024xi32> to vector<1024x1024xi32>
    %eq3A_48 = arith.cmpi eq, %iota3A, %eq3A_47 : vector<1024x1024xi32>
    %jit3A_49 = arith.constant 0x7F800000 : f32
    %broadcast_in_dim3A_50 = vector.broadcast %jit3A_49 : f32 to vector<1024x1024xf32>
    %select_n3A_51 = arith.select %eq3A_48, %broadcast_in_dim3A_50, %max3A_21 : vector<1024x1024xi1>, vector<1024x1024xf32>
    %reduce_min3A_52 = arith.constant dense<0x7F800000> : vector<1024xf32>
    %reduce_min3A_53 = vector.multi_reduction <minimumf>, %select_n3A_51, %reduce_min3A_52 [0] : vector<1024x1024xf32> to vector<1024xf32>
    %broadcast_in_dim3A_54 = vector.shape_cast %reduce_min3A_53 : vector<1024xf32> to vector<1x1024xf32>
    %eq3A_55 = vector.broadcast %broadcast_in_dim3A_54 : vector<1x1024xf32> to vector<1024x1024xf32>
    %eq3A_56 = arith.cmpf oeq, %select_n3A_51, %eq3A_55 : vector<1024x1024xf32>
    %jit3A_57 = arith.constant 1073741824 : i32
    %broadcast_in_dim3A_58 = vector.broadcast %jit3A_57 : i32 to vector<1024x1024xi32>
    %select_n3A_59 = arith.select %eq3A_56, %iota3A, %broadcast_in_dim3A_58 : vector<1024x1024xi1>, vector<1024x1024xi32>
    %reduce_min3A_60 = arith.constant dense<2147483647> : vector<1024xi32>
    %reduce_min3A_61 = vector.multi_reduction <minsi>, %select_n3A_59, %reduce_min3A_60 [0] : vector<1024x1024xi32> to vector<1024xi32>
    %broadcast_in_dim3A_62 = vector.shape_cast %reduce_min3A_61 : vector<1024xi32> to vector<1x1024xi32>
    %div3A_63 = arith.constant 1.000000e+00 : f32
    %div3A_64 = vector.broadcast %div3A_63 : f32 to vector<1x1024xf32>
    %div3A_65 = arith.divf %div3A_64, %broadcast_in_dim3A_54 : vector<1x1024xf32>
    %squeeze3A_66 = vector.shape_cast %div3A_65 : vector<1x1024xf32> to vector<1024xf32>
    %swap3A_67 = arith.constant 0 : index
    %swap3A_68 = arith.constant 1 : index
    %swap3A_69 = arith.constant 0 : index
    %swap3A_70 = vector.load %arg4[%swap3A_67, %swap3A_68, %swap3A_69] : memref<1x8x1024xf32, #tpu.memory_space<vmem>>, vector<1x1x1024xf32>
    %swap3A_71 = vector.shape_cast %swap3A_70 : vector<1x1x1024xf32> to vector<1024xf32>
    %swap3A_72 = vector.shape_cast %squeeze3A_66 : vector<1024xf32> to vector<1x1x1024xf32>
    tpu.vector_store %arg4[%swap3A_67, %swap3A_68, %swap3A_69], %swap3A_72 {strides = array<i32>} : memref<1x8x1024xf32, #tpu.memory_space<vmem>>, vector<1x1x1024xf32>,
    %mul3A_73 = arith.constant 33 : i32
    %mul3A_74 = vector.broadcast %mul3A_73 : i32 to vector<1x1024xi32>
    %mul3A_75 = arith.muli %broadcast_in_dim3A_62, %mul3A_74 : vector<1x1024xi32>
    %convert_element_type3A_76 = arith.sitofp %mul3A_75 : vector<1x1024xi32> to vector<1x1024xf32>
    %squeeze3A_77 = vector.shape_cast %convert_element_type3A_76 : vector<1x1024xf32> to vector<1024xf32>
    %swap3A_78 = arith.constant 0 : index
    %swap3A_79 = arith.constant 4 : index
    %swap3A_80 = arith.constant 0 : index
    %swap3A_81 = vector.load %arg4[%swap3A_78, %swap3A_79, %swap3A_80] : memref<1x8x1024xf32, #tpu.memory_space<vmem>>, vector<1x1x1024xf32>
    %swap3A_82 = vector.shape_cast %swap3A_81 : vector<1x1x1024xf32> to vector<1024xf32>
    %swap3A_83 = vector.shape_cast %squeeze3A_77 : vector<1024xf32> to vector<1x1x1024xf32>
    tpu.vector_store %arg4[%swap3A_78, %swap3A_79, %swap3A_80], %swap3A_83 {strides = array<i32>} : memref<1x8x1024xf32, #tpu.memory_space<vmem>>, vector<1x1x1024xf32>,
    %eq3A_84 = vector.broadcast %broadcast_in_dim3A_62 : vector<1x1024xi32> to vector<1024x1024xi32>
    %eq3A_85 = arith.cmpi eq, %iota3A, %eq3A_84 : vector<1024x1024xi32>
    %jit3A_86 = arith.constant 0x7F800000 : f32
    %broadcast_in_dim3A_87 = vector.broadcast %jit3A_86 : f32 to vector<1024x1024xf32>
    %select_n3A_88 = arith.select %eq3A_85, %broadcast_in_dim3A_87, %select_n3A_51 : vector<1024x1024xi1>, vector<1024x1024xf32>
    %reduce_min3A_89 = arith.constant dense<0x7F800000> : vector<1024xf32>
    %reduce_min3A_90 = vector.multi_reduction <minimumf>, %select_n3A_88, %reduce_min3A_89 [0] : vector<1024x1024xf32> to vector<1024xf32>
    %broadcast_in_dim3A_91 = vector.shape_cast %reduce_min3A_90 : vector<1024xf32> to vector<1x1024xf32>
    %eq3A_92 = vector.broadcast %broadcast_in_dim3A_91 : vector<1x1024xf32> to vector<1024x1024xf32>
    %eq3A_93 = arith.cmpf oeq, %select_n3A_88, %eq3A_92 : vector<1024x1024xf32>
    %jit3A_94 = arith.constant 1073741824 : i32
    %broadcast_in_dim3A_95 = vector.broadcast %jit3A_94 : i32 to vector<1024x1024xi32>
    %select_n3A_96 = arith.select %eq3A_93, %iota3A, %broadcast_in_dim3A_95 : vector<1024x1024xi1>, vector<1024x1024xi32>
    %reduce_min3A_97 = arith.constant dense<2147483647> : vector<1024xi32>
    %reduce_min3A_98 = vector.multi_reduction <minsi>, %select_n3A_96, %reduce_min3A_97 [0] : vector<1024x1024xi32> to vector<1024xi32>
    %broadcast_in_dim3A_99 = vector.shape_cast %reduce_min3A_98 : vector<1024xi32> to vector<1x1024xi32>
    %div3A_100 = arith.constant 1.000000e+00 : f32
    %div3A_101 = vector.broadcast %div3A_100 : f32 to vector<1x1024xf32>
    %div3A_102 = arith.divf %div3A_101, %broadcast_in_dim3A_91 : vector<1x1024xf32>
    %squeeze3A_103 = vector.shape_cast %div3A_102 : vector<1x1024xf32> to vector<1024xf32>
    %swap3A_104 = arith.constant 0 : index
    %swap3A_105 = arith.constant 2 : index
    %swap3A_106 = arith.constant 0 : index
    %swap3A_107 = vector.load %arg4[%swap3A_104, %swap3A_105, %swap3A_106] : memref<1x8x1024xf32, #tpu.memory_space<vmem>>, vector<1x1x1024xf32>
    %swap3A_108 = vector.shape_cast %swap3A_107 : vector<1x1x1024xf32> to vector<1024xf32>
    %swap3A_109 = vector.shape_cast %squeeze3A_103 : vector<1024xf32> to vector<1x1x1024xf32>
    tpu.vector_store %arg4[%swap3A_104, %swap3A_105, %swap3A_106], %swap3A_109 {strides = array<i32>} : memref<1x8x1024xf32, #tpu.memory_space<vmem>>, vector<1x1x1024xf32>,
    %mul3A_110 = arith.constant 33 : i32
    %mul3A_111 = vector.broadcast %mul3A_110 : i32 to vector<1x1024xi32>
    %mul3A_112 = arith.muli %broadcast_in_dim3A_99, %mul3A_111 : vector<1x1024xi32>
    %convert_element_type3A_113 = arith.sitofp %mul3A_112 : vector<1x1024xi32> to vector<1x1024xf32>
    %squeeze3A_114 = vector.shape_cast %convert_element_type3A_113 : vector<1x1024xf32> to vector<1024xf32>
    %swap3A_115 = arith.constant 0 : index
    %swap3A_116 = arith.constant 5 : index
    %swap3A_117 = arith.constant 0 : index
    %swap3A_118 = vector.load %arg4[%swap3A_115, %swap3A_116, %swap3A_117] : memref<1x8x1024xf32, #tpu.memory_space<vmem>>, vector<1x1x1024xf32>
    %swap3A_119 = vector.shape_cast %swap3A_118 : vector<1x1x1024xf32> to vector<1024xf32>
    %swap3A_120 = vector.shape_cast %squeeze3A_114 : vector<1024xf32> to vector<1x1x1024xf32>
    tpu.vector_store %arg4[%swap3A_115, %swap3A_116, %swap3A_117], %swap3A_120 {strides = array<i32>} : memref<1x8x1024xf32, #tpu.memory_space<vmem>>, vector<1x1x1024xf32>,
    %broadcast_in_dim3A_121 = arith.constant 0.000000e+00 : f32
    %broadcast_in_dim3A_122 = vector.broadcast %broadcast_in_dim3A_121 : f32 to vector<1024xf32>
    %swap3A_123 = arith.constant 0 : index
    %swap3A_124 = arith.constant 6 : index
    %swap3A_125 = arith.constant 0 : index
    %swap3A_126 = vector.load %arg4[%swap3A_123, %swap3A_124, %swap3A_125] : memref<1x8x1024xf32, #tpu.memory_space<vmem>>, vector<1x1x1024xf32>
    %swap3A_127 = vector.shape_cast %swap3A_126 : vector<1x1x1024xf32> to vector<1024xf32>
    %swap3A_128 = vector.shape_cast %broadcast_in_dim3A_122 : vector<1024xf32> to vector<1x1x1024xf32>
    tpu.vector_store %arg4[%swap3A_123, %swap3A_124, %swap3A_125], %swap3A_128 {strides = array<i32>} : memref<1x8x1024xf32, #tpu.memory_space<vmem>>, vector<1x1x1024xf32>,
    %broadcast_in_dim3A_129 = arith.constant 0.000000e+00 : f32
    %broadcast_in_dim3A_130 = vector.broadcast %broadcast_in_dim3A_129 : f32 to vector<1024xf32>
    %swap3A_131 = arith.constant 0 : index
    %swap3A_132 = arith.constant 7 : index
    %swap3A_133 = arith.constant 0 : index
    %swap3A_134 = vector.load %arg4[%swap3A_131, %swap3A_132, %swap3A_133] : memref<1x8x1024xf32, #tpu.memory_space<vmem>>, vector<1x1x1024xf32>
    %swap3A_135 = vector.shape_cast %swap3A_134 : vector<1x1x1024xf32> to vector<1024xf32>
    %swap3A_136 = vector.shape_cast %broadcast_in_dim3A_130 : vector<1024xf32> to vector<1x1x1024xf32>
    tpu.vector_store %arg4[%swap3A_131, %swap3A_132, %swap3A_133], %swap3A_136 {strides = array<i32>} : memref<1x8x1024xf32, #tpu.memory_space<vmem>>, vector<1x1x1024xf32>,
    return
  }
  func.func @transform_0(%arg0: i32, %arg1: i32) -> (i32, i32, i32) {
    %c0_i32 = arith.constant 0 : i32
    %c0_i32_0 = arith.constant 0 : i32
    %c0_i32_1 = arith.constant 0 : i32
    return %arg0, %c0_i32, %c0_i32_0 : i32, i32, i32
  }
  func.func @transform_1(%arg0: i32, %arg1: i32) -> (i32, i32, i32) {
    %c0_i32 = arith.constant 0 : i32
    %c0_i32_0 = arith.constant 0 : i32
    return %arg0, %arg1, %c0_i32 : i32, i32, i32
  }
  func.func @transform_2(%arg0: i32, %arg1: i32) -> (i32, i32, i32) {
    %c0_i32 = arith.constant 0 : i32
    %c0_i32_0 = arith.constant 0 : i32
    return %arg0, %c0_i32, %arg1 : i32, i32, i32
  }
}

module attributes {stable_mosaic.version = 14 : i64} {
  func.func @_tc_prep_body(%arg0: memref<2048x64xf32, #tpu.memory_space<vmem>>, %arg1: memref<64x32xf32, #tpu.memory_space<vmem>>, %arg2: memref<1x32xf32, #tpu.memory_space<vmem>>, %arg3: memref<1x32xf32, #tpu.memory_space<vmem>>, %arg4: memref<1x32xf32, #tpu.memory_space<vmem>>, %arg5: memref<32x32xf32, #tpu.memory_space<vmem>>, %arg6: memref<1x32xf32, #tpu.memory_space<vmem>>, %arg7: memref<2048x32xf32, #tpu.memory_space<vmem>>) attributes {dimension_semantics = [], scalar_prefetch = 0 : i64, scratch_operands = 0 : i64, tpu.core_type = #tpu.core_type<tc>} {
    %get3A = arith.constant 0 : index
    %get3A_0 = arith.constant 0 : index
    %get3A_1 = vector.load %arg0[%get3A, %get3A_0] : memref<2048x64xf32, #tpu.memory_space<vmem>>, vector<2048x64xf32>
    %get3A_2 = arith.constant 0 : index
    %get3A_3 = arith.constant 0 : index
    %get3A_4 = vector.load %arg1[%get3A_2, %get3A_3] : memref<64x32xf32, #tpu.memory_space<vmem>>, vector<64x32xf32>
    %dot_general3A = arith.constant dense<0.000000e+00> : vector<2048x32xf32>
    %dot_general3A_5 = tpu.matmul %get3A_1, %get3A_4, %dot_general3A {dimension_numbers = #tpu.dot_dimension_numbers<[1], [0], [0], [1], [0, 0, 1, 1], [], []>, transpose_lhs_hint = false} : vector<2048x64xf32>, vector<64x32xf32>, vector<2048x32xf32> -> vector<2048x32xf32>
    %get3A_6 = arith.constant 0 : index
    %get3A_7 = arith.constant 0 : index
    %get3A_8 = vector.load %arg2[%get3A_6, %get3A_7] : memref<1x32xf32, #tpu.memory_space<vmem>>, vector<1x32xf32>
    %add3A = vector.broadcast %get3A_8 : vector<1x32xf32> to vector<2048x32xf32>
    %add3A_9 = arith.addf %dot_general3A_5, %add3A : vector<2048x32xf32>
    %reduce_sum3A = arith.constant dense<0.000000e+00> : vector<32xf32>
    %reduce_sum3A_10 = vector.multi_reduction <add>, %add3A_9, %reduce_sum3A [0] : vector<2048x32xf32> to vector<32xf32>
    %broadcast_in_dim3A = vector.shape_cast %reduce_sum3A_10 : vector<32xf32> to vector<1x32xf32>
    %div3A = arith.constant 2.048000e+03 : f32
    %div3A_11 = vector.broadcast %div3A : f32 to vector<1x32xf32>
    %div3A_12 = arith.divf %broadcast_in_dim3A, %div3A_11 : vector<1x32xf32>
    %sub3A = vector.broadcast %div3A_12 : vector<1x32xf32> to vector<2048x32xf32>
    %sub3A_13 = arith.subf %add3A_9, %sub3A : vector<2048x32xf32>
    %integer_pow3A = arith.mulf %sub3A_13, %sub3A_13 : vector<2048x32xf32>
    %reduce_sum3A_14 = arith.constant dense<0.000000e+00> : vector<32xf32>
    %reduce_sum3A_15 = vector.multi_reduction <add>, %integer_pow3A, %reduce_sum3A_14 [0] : vector<2048x32xf32> to vector<32xf32>
    %broadcast_in_dim3A_16 = vector.shape_cast %reduce_sum3A_15 : vector<32xf32> to vector<1x32xf32>
    %div3A_17 = arith.constant 2.048000e+03 : f32
    %div3A_18 = vector.broadcast %div3A_17 : f32 to vector<1x32xf32>
    %div3A_19 = arith.divf %broadcast_in_dim3A_16, %div3A_18 : vector<1x32xf32>
    %sub3A_20 = vector.broadcast %div3A_12 : vector<1x32xf32> to vector<2048x32xf32>
    %sub3A_21 = arith.subf %add3A_9, %sub3A_20 : vector<2048x32xf32>
    %add3A_22 = arith.constant 9.99999974E-6 : f32
    %add3A_23 = vector.broadcast %add3A_22 : f32 to vector<1x32xf32>
    %add3A_24 = arith.addf %div3A_19, %add3A_23 : vector<1x32xf32>
    %sqrt3A = math.sqrt %add3A_24 : vector<1x32xf32>
    %div3A_25 = vector.broadcast %sqrt3A : vector<1x32xf32> to vector<2048x32xf32>
    %div3A_26 = arith.divf %sub3A_21, %div3A_25 : vector<2048x32xf32>
    %get3A_27 = arith.constant 0 : index
    %get3A_28 = arith.constant 0 : index
    %get3A_29 = vector.load %arg3[%get3A_27, %get3A_28] : memref<1x32xf32, #tpu.memory_space<vmem>>, vector<1x32xf32>
    %mul3A = vector.broadcast %get3A_29 : vector<1x32xf32> to vector<2048x32xf32>
    %mul3A_30 = arith.mulf %div3A_26, %mul3A : vector<2048x32xf32>
    %get3A_31 = arith.constant 0 : index
    %get3A_32 = arith.constant 0 : index
    %get3A_33 = vector.load %arg4[%get3A_31, %get3A_32] : memref<1x32xf32, #tpu.memory_space<vmem>>, vector<1x32xf32>
    %add3A_34 = vector.broadcast %get3A_33 : vector<1x32xf32> to vector<2048x32xf32>
    %add3A_35 = arith.addf %mul3A_30, %add3A_34 : vector<2048x32xf32>
    %max3A = arith.constant 0.000000e+00 : f32
    %max3A_36 = vector.broadcast %max3A : f32 to vector<2048x32xf32>
    %max3A_37 = arith.maximumf %add3A_35, %max3A_36 : vector<2048x32xf32>
    %get3A_38 = arith.constant 0 : index
    %get3A_39 = arith.constant 0 : index
    %get3A_40 = vector.load %arg5[%get3A_38, %get3A_39] : memref<32x32xf32, #tpu.memory_space<vmem>>, vector<32x32xf32>
    %dot_general3A_41 = arith.constant dense<0.000000e+00> : vector<2048x32xf32>
    %dot_general3A_42 = tpu.matmul %max3A_37, %get3A_40, %dot_general3A_41 {dimension_numbers = #tpu.dot_dimension_numbers<[1], [0], [0], [1], [0, 0, 1, 1], [], []>, transpose_lhs_hint = false} : vector<2048x32xf32>, vector<32x32xf32>, vector<2048x32xf32> -> vector<2048x32xf32>
    %get3A_43 = arith.constant 0 : index
    %get3A_44 = arith.constant 0 : index
    %get3A_45 = vector.load %arg6[%get3A_43, %get3A_44] : memref<1x32xf32, #tpu.memory_space<vmem>>, vector<1x32xf32>
    %add3A_46 = vector.broadcast %get3A_45 : vector<1x32xf32> to vector<2048x32xf32>
    %add3A_47 = arith.addf %dot_general3A_42, %add3A_46 : vector<2048x32xf32>
    %swap3A = arith.constant 0 : index
    %swap3A_48 = arith.constant 0 : index
    %swap3A_49 = vector.load %arg7[%swap3A, %swap3A_48] : memref<2048x32xf32, #tpu.memory_space<vmem>>, vector<2048x32xf32>
    tpu.vector_store %arg7[%swap3A, %swap3A_48], %add3A_47 {strides = array<i32>} : memref<2048x32xf32, #tpu.memory_space<vmem>>, vector<2048x32xf32>,
    return
  }
}

</mosaic_0001>

<sc_bundles>
// kernel: kernel.5.cloned.1.call-start
scs
__scs_entry_jumppad:
0x0: {  	(pc) =	sbr.rel $0x88, $3  }
0x1: {  	(tag) =	ssettag $0x0;
	lr =	simm.s32 $0x1  }
0x2: {  	[smem:$0x3F98] =	sst lr;
	_ =	strace $0xD0000000  }
0x3: {  	_ = 	snop  }
0x4: {  	_ = 	snop  }
0x5: {  	_ = 	snop  }
0x6: {  	_ = 	snop  }
0x7: {  	_ = 	snop  }
__scs_overlays_trampoline_lowered:
0x8: {  	[smem:$0x3FA7] =	sst s0  }
0x9: {  	[smem:$0x3FA8] =	sst s1  }
0xa: {  	[smem:$0x3FA9] =	sst s2  }
0xb: {  	[smem:$0x3FAA] =	sst s3  }
0xc: {  	[smem:$0x3FAB] =	sst s4  }
0xd: {  	[smem:$0x3FAC] =	sst s5  }
0xe: {  	[smem:$0x3FAD] =	sst s6  }
0xf: {  	[smem:$0x3FAE] =	sst s7  }
0x10: {  	[smem:$0x3FAF] =	sst s8  }
0x11: {  	[smem:$0x3FB0] =	sst s9;
	s0 =	simm.s32 @!p0 $0x0  }
0x12: {  	s1 =	sld [smem:$0x3F96];
	s0 =	simm.s32 @p0 $0x1  }
0x13: {  	[smem:$0x3FB1] =	sst s0;
	s0 =	simm.s32 @!p1 $0x0  }
0x14: {  	s2 =	sld [smem:$0x3F95];
	s0 =	simm.s32 @p1 $0x1  }
0x15: {  	[smem:$0x3FB2] =	sst s0;
	s0 =	simm.s32 @!p2 $0x0  }
0x16: {  	s3 =	sld [smem:$0x3FDB];
	s0 =	simm.s32 @p2 $0x1  }
0x17: {  	s4 =	simm.s32 $0x1BF5;
	[smem:$0x3FB4] =	sst s0  }
0x18: {  	s0 =	sld [smem:$0x3F97];
	_ =	swait.ge [sflag:s4], $0x0  }
0x19: {  	s7 =	sld [smem:$0x3F98]  }
0x1a: {  	s8 =	sadd.s32 $0xFFFFE003, lr  }
0x1b: {  	s9 =	sadd.s32 $0xFFFFFEF7, lr;
	s5 =	simm.s32 $0xFFFFFFFF;
	p2 =	slt.u32 s8, $0xFFFFF086  }
0x1c: {  	p1 =	slt.u32 s9, $0xF7A;
	s5 =	simm.s32 @!p2 $0x0  }
0x1d: {  	s5 =	simm.s32 @p1 $0x1;
	p0 =	seq.s32 s7, s2  }
0x1e: {  	s7 =	smul.u32 @!p0 $0xF7A, s2;
	p2 =	seq.s32 @!p0 s5, $0x0  }
0x1f: {  	s9 =	smul.u32 $0xF7A, s1;
	s8 =	simm.s32 @!p0 $0x1BF5;
	p2 =	por !p2, p0  }
0x20: {  	[sflag:s8] =	ssyncset.s32 @!p0 $0xFFFFF086;
	s6 =	sadd.s32 @!p0 s3, s7;
	s7 =	simm.s32 @!p0 $0x108  }
0x21: {  	s3 =	sadd.s32 s3, s9;
	s6 =	sadd.s32 @!p0 $0x88, s6;
	s7 =	simm.s32 @p2 $0x1082  }
0x22: {  	[simem:s7], [sflag:s8] =	dma.local @!p0 [hbm:s6], $0xF7A  }
0x23: {  	s9 =	sor.u32 $0xD0000000, s2;
	s6 =	simm.s32 $0x108;
	_ =	swait.ge @!p0 [sflag:s8], $0x0  }
0x24: {  	s3 =	sadd.s32 $0x88, s3;
	s6 =	simm.s32 @!p1 $0x1082;
	[sflag:s4] =	ssyncset.s32 $0xFFFFF086  }
0x25: {  	[simem:s6], [sflag:s4] =	dma.local [hbm:s3], $0xF7A  }
0x26: {  	[smem:$0x3F98] =	sst s1;
	(tag) =	ssettag s2;
	_ =	strace s9  }
0x27: {  	s1 =	sld [smem:$0x3FA8]  }
0x28: {  	s2 =	sld [smem:$0x3FA9]  }
0x29: {  	s4 =	sld [smem:$0x3FAB]  }
0x2a: {  	p0 =	seq.s32 s5, $0x0;
	s5 =	sld [smem:$0x3FAC]  }
0x2b: {  	s6 =	sld [smem:$0x3FAD]  }
0x2c: {  	s7 =	sld [smem:$0x3FAE]  }
0x2d: {  	s3 =	simm.s32 $0x108;
	s8 =	sld [smem:$0x3FAF]  }
0x2e: {  	s3 =	simm.s32 @!p0 $0x1082;
	s9 =	sld [smem:$0x3FB0]  }
0x2f: {  	lr =	sadd.s32 s0, s3;
	s0 =	sld [smem:$0x3FA7]  }
0x30: {  	s3 =	sld [smem:$0x3FAA]  }
0x31: {  	[smem:$0x3FB3] =	sst s10  }
0x32: {  	s10 =	sld [smem:$0x3FB1];
	_ =	sdelay $0x3  }
0x33: {  	p0 =	seq.s32 s10, $0x1;
	s10 =	sld [smem:$0x3FB3];
	_ =	sdelay $0x3  }
0x34: {  	[smem:$0x3FB3] =	sst s10  }
0x35: {  	s10 =	sld [smem:$0x3FB2];
	_ =	sdelay $0x3  }
0x36: {  	p1 =	seq.s32 s10, $0x1;
	s10 =	sld [smem:$0x3FB3];
	_ =	sdelay $0x3  }
0x37: {  	[smem:$0x3FB3] =	sst s10  }
0x38: {  	s10 =	sld [smem:$0x3FB4]  }
0x39: {  	_ = 	snop;
	(pc) =	sbr.ind lr, $3  }
0x3a: {  	_ = 	snop  }
0x3b: {  	_ = 	snop  }
0x3c: {  	p2 =	seq.s32 s10, $0x1;
	s10 =	sld [smem:$0x3FB3]  }
0x3d: {  	_ =	shalt  }
0x3e: {  	_ =	shalt  }
0x3f: {  	_ =	shalt  }
0x40: {  	_ =	shalt  }
0x41: {  	_ =	shalt  }
0x42: {  	_ =	shalt  }
0x43: {  	_ =	shalt  }
0x44: {  	_ =	shalt  }
0x45: {  	_ =	shalt  }
0x46: {  	_ =	shalt  }
0x47: {  	_ =	shalt  }
0x48: {  	_ =	shalt  }
0x49: {  	_ =	shalt  }
0x4a: {  	_ =	shalt  }
0x4b: {  	_ =	shalt  }
0x4c: {  	_ =	shalt  }
0x4d: {  	_ =	shalt  }
0x4e: {  	_ =	shalt  }
0x4f: {  	_ =	shalt  }
0x50: {  	_ =	shalt  }
0x51: {  	_ =	shalt  }
0x52: {  	_ =	shalt  }
0x53: {  	_ =	shalt  }
0x54: {  	_ =	shalt  }
0x55: {  	_ =	shalt  }
0x56: {  	_ =	shalt  }
0x57: {  	_ =	shalt  }
0x58: {  	_ =	shalt  }
0x59: {  	_ =	shalt  }
0x5a: {  	_ =	shalt  }
0x5b: {  	_ =	shalt  }
0x5c: {  	_ =	shalt  }
0x5d: {  	_ =	shalt  }
0x5e: {  	_ =	shalt  }
0x5f: {  	_ =	shalt  }
0x60: {  	_ =	shalt  }
0x61: {  	_ =	shalt  }
0x62: {  	_ =	shalt  }
0x63: {  	_ =	shalt  }
0x64: {  	_ =	shalt  }
0x65: {  	_ =	shalt  }
0x66: {  	_ =	shalt  }
0x67: {  	_ =	shalt  }
0x68: {  	_ =	shalt  }
0x69: {  	_ =	shalt  }
0x6a: {  	_ =	shalt  }
0x6b: {  	_ =	shalt  }
0x6c: {  	_ =	shalt  }
0x6d: {  	_ =	shalt  }
0x6e: {  	_ =	shalt  }
0x6f: {  	_ =	shalt  }
0x70: {  	_ =	shalt  }
0x71: {  	_ =	shalt  }
0x72: {  	_ =	shalt  }
0x73: {  	_ =	shalt  }
0x74: {  	_ =	shalt  }
0x75: {  	_ =	shalt  }
0x76: {  	_ =	shalt  }
0x77: {  	_ =	shalt  }
0x78: {  	_ =	shalt  }
0x79: {  	_ =	shalt  }
0x7a: {  	_ =	shalt  }
0x7b: {  	_ =	shalt  }
0x7c: {  	_ =	shalt  }
0x7d: {  	_ =	shalt  }
0x7e: {  	_ =	shalt  }
0x7f: {  	_ =	shalt  }
0x80: {  	_ =	shalt  }
0x81: {  	_ =	shalt  }
0x82: {  	_ =	shalt  }
0x83: {  	_ =	shalt  }
0x84: {  	_ =	shalt  }
0x85: {  	_ =	shalt  }
0x86: {  	_ =	shalt  }
0x87: {  	_ =	shalt  }
.Lfunc_end0:
.L_simem_size_0:
called_computation_lowered:
.L_overlay_start_0:
0x88: {  	s2 =	sld [smem:$0x3FD9]  }
0x89: {  	s3 =	sld [smem:$0x3FFE];
	_ =	sdelay $0x1  }
0x8a: {  	s1 =	srdreg.scid  }
0x8b: {  	s0 =	sand.u32 $0x1, s1  }
0x8c: {  	s17 =	sshll.u32 s0, $0xA;
	s2 =	sadd.s32 s3, s2  }
0x8d: {  	s2 =	sadd.s32 s2, s17  }
0x8e: {  	[smem:$0x3FBF] =	sst s2  }
0x8f: {  	_ = 	snop  }
0x90: {  	s2 =	sld [smem:$0x3FD0];
	(tm) =	ssettm $0x1  }
0x91: {  	s18 =	sld [smem:$0x3FFB];
	_ =	sdelay $0x3  }
0x92: {  	_ =	strace s18  }
0x93: {  	s3 =	sld [smem:$0x3FFC];
	_ =	sdelay $0x3  }
0x94: {  	_ =	strace s3  }
0x95: {  	s3 =	sld [smem:$0x3FFD];
	_ =	sdelay $0x3  }
0x96: {  	_ =	strace s3  }
0x97: {  	_ =	strace $0x8FFFFFFF  }
0x98: {  	s19 =	sld [smem:$0x3FDB];
	_ =	sdelay $0x1  }
0x99: {  	s4 =	simm.s32 $_scs_section_size  }
0x9a: {  	s5 =	simm.s32 $_size__tile_overlayer_lowered;
	s6 =	simm.s32 $_tile_overlayer_lowered  }
0x9b: {  	s22 =	simm.s32 $0x1BFF;
	s21 =	sshll.u32 s6, $0x1;
	s3 =	sadd.s32 s4, s19  }
0x9c: {  	s7 =	simm.s32 $0x0;
	s20 =	sshll.u32 s5, $0x1;
	s5 =	sadd.s32 s21, s3  }
0x9d: {  	[timem:s7], [sflag:s22] =	dma.local [hbm:s5], s20  }
0x9e: {  	_ =	swait.ge [sflag:s22], s20  }
0x9f: {  	s4 =	ssub.s32 $0x0, s20;
	[sflag:s22] =	ssyncset.done $0x0  }
0xa0: {  	[sflag:s22] =	ssyncadd.s32 s4;
	_ =	sdelay $0x1  }
0xa1: {  	s23 =	simm.s32 $0x1B8B  }
0xa2: {  	_ =	swait.ge [sflag:s23], $0x1  }
0xa3: {  	[sflag:s23] =	ssyncset.done $0x0  }
0xa4: {  	s25 =	simm.s32 $0x1B8E;
	s24 =	sld [smem:$0x3FFE];
	[sflag:s23] =	ssyncadd.s32 $0xFFFFFFFF  }
0xa5: {  	s26 =	simm.s32 $execute0_lowered;
	[smem:$0x3FD2] =	sst s25  }
0xa6: {  	s5 =	sshll.u32 s26, $0x1;
	_ =	strace $0x80000046;
	[dreg:$0x1] =	wrdreg $0xFFFFFFFF  }
0xa7: {  	s28 =	simm.s32 $_size_execute0_lowered;
	s3 =	sadd.s32 s3, s5;
	[dreg:$0x0] =	wrdreg $0x0  }
0xa8: {  	s5 =	sshll.u32 s28, $0x1;
	[dreg:$0x2] =	wrdreg s3  }
0xa9: {  	[dreg:$0x3] =	wrdreg s5  }
0xaa: {  	[dreg:$0x4] =	wrdreg $0xC0  }
0xab: {  	_ =	task [dreg:s7], $0x5FFFF  }
0xac: {  	[dreg:$0x1] =	wrdreg $0xFFFFFFFF  }
0xad: {  	[dreg:$0x0] =	wrdreg $0x60  }
0xae: {  	[dreg:$0x2] =	wrdreg s2  }
0xaf: {  	[dreg:$0x3] =	wrdreg s24  }
0xb0: {  	[dreg:$0x4] =	wrdreg $0x9  }
0xb1: {  	_ =	task.clear_ibuf [dreg:s7], $0x5FFFF;
	_ =	strace $0x90000046  }
0xb2: {  	s29 =	simm.s32 $0x9;
	_ =	strace $0x80000048  }
0xb3: {  	_ =	swait.ge [sflag:s29], $0x1  }
0xb4: {  	[sflag:s29] =	ssyncadd.s32 $0xFFFFFFFF  }
0xb5: {  	_ =	strace $0x90000048  }
0xb6: {  	_ =	sfence  }
0xb7: {  	s30 =	sld [smem:$0x0];
	_ =	sdelay $0x2  }
0xb8: {  	s31 =	sshll.u32 s1, $0xD;
	s1 =	sshrl.u32 s1, $0x2  }
0xb9: {  	s3 =	sand.u32 $0x4000, s31;
	s1 =	sadd.s32 s1, s30  }
0xba: {  	s0 =	sor.u32 s3, s0;
	s1 =	sshll.u32 s1, $0x11  }
0xbb: {  	s0 =	sor.u32 s1, s0  }
0xbc: {  	s0 =	sadd.s32 $0x8F2B, s0  }
0xbd: {  	[sflag:s0] =	ssyncadd.remote.s32 $0x1  }
0xbe: {  	_ =	sfence.sel $0xFFFF  }
0xbf: {  	[dreg:$0x0] =	wrdreg $0xFFFFFFFF;
	(pc) =	sbr.abs _section_cstart, $3  }
0xc0: {  	[dreg:$0x1] =	wrdreg $0xFFFFFFFF  }
0xc1: {  	_ =	task.clear_ibuf [dreg:s7], $0x2FFFF;
	_ =	strace $0x9FFFFFFF  }
0xc2: {  	(tm) =	ssettm $0x7FFFFFFF  }
0xc3: {  	_ =	shalt  }
tec
execute0_lowered:
.L_overlay_start_1:
0x0: {  	(tag) =	ssettag $0x1  }
0x1: {  	s3 =	rddreg [dreg:$0x0];
	s0 =	srdreg.scid  }
0x2: {  	s4 =	rddreg [dreg:$0x1];
	s1 =	simm.s32 $0x0;
	s5 =	sand.u32 $0x1, s0  }
0x3: {  	s10 =	simm.s32 $0x1000;
	s0 =	rddreg [dreg:$0x2];
	s2 =	smul.u32 $0x1080, s5  }
0x4: {  	s11 =	simm.s32 $0x9400;
	s12 =	simm.s32 $0x0;
	[smem:$0x7FF] =	sst s1  }
0x5: {  	_ =	strace $0x80000047;
	s6 =	sadd.s32 s2, s4;
	s2 =	stileid.u32  }
0x6: {  	s8 =	sshll.u32 s5, $0x12;
	s9 =	sshll.u32 s5, $0x10;
	s7 =	sshll.u32 s2, $0x9  }
0x7: {  	s5 =	ssub.s32 $0x2, s5;
	s8 =	sor.u32 s7, s8;
	s7 =	sor.u32 s7, s9  }
0x8: {  	s31 =	sshrl.u32 s5, $0x1;
	s8 =	sshrl.u32 s8, $0x3;
	s7 =	sshrl.u32 s7, $0x3  }
0x9: {  	s9 =	ssub.s32 s5, s31;
	s8 =	sadd.s32 s8, s4;
	s3 =	sadd.s32 s3, s7  }
0xa: {  	s4 =	sadd.s32 $0x1400, s6;
	s6 =	smax.u32 s9, $0x1;
	s7 =	simm.s32 $0x200  }
0xb: {  	s9 =	simm.s32 $0x1;
	s5 =	sadd.s32 $0x3600, s8;
	s8 =	simm.s32 $0x2000  }
.LBB2_1:
0xc: {  	[tilespmem:s1], [sflag:$0x1] =	stream.strided.gather [hbm4b:s3+s7], $0x1000, s8, s7, $0x38;
	[tilespmem:$0xD400] =	vst v63  }
0xd: {  	_ =	swait.ge [sflag:s9], $0x1000  }
0xe: {  	[sflag:s9] =	ssyncset.done $0x0  }
0xf: {  	[sflag:s9] =	ssyncadd.s32 $0xFFFFF000  }
0x10: {  	[tilespmem:s10], [sflag:$0x1] =	stream.linear.gather [hbm4b:s4+s1], $0x8400, $0x38;
	[tilespmem:$0xD400] =	vst v63  }
0x11: {  	_ =	swait.ge [sflag:s9], $0x8400  }
0x12: {  	[sflag:s9] =	ssyncset.done $0x0  }
0x13: {  	s13 =	simm.s32 $0xFFFFF800;
	[sflag:s9] =	ssyncadd.s32 $0xFFFF7C00  }
.LBB2_2:
0x14: {  	s14 =	sshra.s32 s13, $0x2  }
0x15: {  	v1 =	vld [tilespmem:s14+$0x200]  }
0x16: {  	v5 =	vld [tilespmem:s14+$0x400]  }
0x17: {  	v6 =	vld [tilespmem:s14+$0x600]  }
0x18: {  	v0 =	vld [tilespmem:s14+$0x800]  }
0x19: {  	v2 =	vld [tilespmem:s14+$0xA00];
	_ =	sdelay $0x1  }
0x1a: {  	v3 =	vadd.f32 v5, v1  }
0x1b: {  	v4 =	vld [tilespmem:s14+$0xC00]  }
0x1c: {  	v3 =	vadd.f32 v6, v3  }
0x1d: {  	v0 =	vtrunc.f32 v0;
	v2 =	vtrunc.f32 v2  }
0x1e: {  	v0 =	vcvt.f32.s32 v0;
	(erf) = vrcp.f32 v3  }
0x1f: {  	v2 =	vcvt.f32.s32 v2  }
0x20: {  	v44 =	vtrunc.f32 v4  }
0x21: {  	v3 =	vcvt.f32.s32 v44;
	_ =	sdelay $0x2  }
0x22: {  	v7 =	vld.idx.msk [tilespmem:v0+s10+$0x0], $0xffff  }
0x23: {  	v8 =	vld.idx.msk [tilespmem:v2+s10+$0x0], $0xffff;
	_ =	sdelay $0x1  }
0x24: {  	v10 =	vld.idx.msk [tilespmem:v3+s10+$0x0], $0xffff;
	v9 =	vpop (erf)  }
0x25: {  	v4 =	vmul.f32 v9, v1;
	v5 =	vmul.f32 v9, v5  }
0x26: {  	v1 =	vmul.f32 v9, v6  }
0x27: {  	v45 =	vmul.f32 v7, v4;
	v46 =	vmul.f32 v8, v5;
	_ =	sdelay $0x1  }
0x28: {  	v48 =	vadd.s32 $0x1, v0;
	v47 =	vmul.f32 v10, v1;
	v6 =	vadd.f32 v46, v45  }
0x29: {  	v49 =	vadd.s32 $0x1, v2  }
0x2a: {  	v6 =	vadd.f32 v47, v6  }
0x2b: {  	v50 =	vadd.s32 $0x1, v3  }
0x2c: {  	[tilespmem:s14+$0x9600] =	vst v6  }
0x2d: {  	v6 =	vld.idx.msk [tilespmem:v48+s10+$0x0], $0xffff  }
0x2e: {  	v51 =	vld.idx.msk [tilespmem:v49+s10+$0x0], $0xffff;
	_ =	sdelay $0x1  }
0x2f: {  	v7 =	vld.idx.msk [tilespmem:v50+s10+$0x0], $0xffff;
	_ =	sdelay $0x2  }
0x30: {  	v6 =	vmul.f32 v6, v4;
	v8 =	vmul.f32 v51, v5;
	_ =	sdelay $0x1  }
0x31: {  	v52 =	vadd.s32 $0x2, v0;
	v7 =	vmul.f32 v7, v1;
	v6 =	vadd.f32 v8, v6  }
0x32: {  	v53 =	vadd.s32 $0x2, v2  }
0x33: {  	v6 =	vadd.f32 v7, v6  }
0x34: {  	v54 =	vadd.s32 $0x2, v3  }
0x35: {  	[tilespmem:s14+$0x9800] =	vst v6  }
0x36: {  	v6 =	vld.idx.msk [tilespmem:v52+s10+$0x0], $0xffff  }
0x37: {  	v55 =	vld.idx.msk [tilespmem:v53+s10+$0x0], $0xffff;
	_ =	sdelay $0x1  }
0x38: {  	v7 =	vld.idx.msk [tilespmem:v54+s10+$0x0], $0xffff;
	_ =	sdelay $0x2  }
0x39: {  	v6 =	vmul.f32 v6, v4;
	v8 =	vmul.f32 v55, v5;
	_ =	sdelay $0x1  }
0x3a: {  	v56 =	vadd.s32 $0x3, v0;
	v7 =	vmul.f32 v7, v1;
	v6 =	vadd.f32 v8, v6  }
0x3b: {  	v57 =	vadd.s32 $0x3, v2  }
0x3c: {  	v6 =	vadd.f32 v7, v6  }
0x3d: {  	v58 =	vadd.s32 $0x3, v3  }
0x3e: {  	[tilespmem:s14+$0x9A00] =	vst v6  }
0x3f: {  	v6 =	vld.idx.msk [tilespmem:v56+s10+$0x0], $0xffff  }
0x40: {  	v59 =	vld.idx.msk [tilespmem:v57+s10+$0x0], $0xffff;
	_ =	sdelay $0x1  }
0x41: {  	v7 =	vld.idx.msk [tilespmem:v58+s10+$0x0], $0xffff;
	_ =	sdelay $0x2  }
0x42: {  	v6 =	vmul.f32 v6, v4;
	v8 =	vmul.f32 v59, v5;
	_ =	sdelay $0x1  }
0x43: {  	v60 =	vadd.s32 $0x4, v0;
	v7 =	vmul.f32 v7, v1;
	v6 =	vadd.f32 v8, v6  }
0x44: {  	v61 =	vadd.s32 $0x4, v2  }
0x45: {  	v6 =	vadd.f32 v7, v6  }
0x46: {  	v62 =	vadd.s32 $0x4, v3  }
0x47: {  	[tilespmem:s14+$0x9C00] =	vst v6  }
0x48: {  	v6 =	vld.idx.msk [tilespmem:v60+s10+$0x0], $0xffff  }
0x49: {  	v63 =	vld.idx.msk [tilespmem:v61+s10+$0x0], $0xffff;
	_ =	sdelay $0x1  }
0x4a: {  	v7 =	vld.idx.msk [tilespmem:v62+s10+$0x0], $0xffff;
	_ =	sdelay $0x2  }
0x4b: {  	v6 =	vmul.f32 v6, v4;
	v8 =	vmul.f32 v63, v5;
	_ =	sdelay $0x1  }
0x4c: {  	v12 =	vadd.s32 $0x5, v0;
	v7 =	vmul.f32 v7, v1;
	v6 =	vadd.f32 v8, v6  }
0x4d: {  	v13 =	vadd.s32 $0x5, v2  }
0x4e: {  	v6 =	vadd.f32 v7, v6  }
0x4f: {  	v14 =	vadd.s32 $0x5, v3  }
0x50: {  	[tilespmem:s14+$0x9E00] =	vst v6  }
0x51: {  	v6 =	vld.idx.msk [tilespmem:v12+s10+$0x0], $0xffff  }
0x52: {  	v15 =	vld.idx.msk [tilespmem:v13+s10+$0x0], $0xffff;
	_ =	sdelay $0x1  }
0x53: {  	v7 =	vld.idx.msk [tilespmem:v14+s10+$0x0], $0xffff;
	_ =	sdelay $0x2  }
0x54: {  	v6 =	vmul.f32 v6, v4;
	v8 =	vmul.f32 v15, v5;
	_ =	sdelay $0x1  }
0x55: {  	v16 =	vadd.s32 $0x6, v0;
	v7 =	vmul.f32 v7, v1;
	v6 =	vadd.f32 v8, v6  }
0x56: {  	v17 =	vadd.s32 $0x6, v2  }
0x57: {  	v6 =	vadd.f32 v7, v6  }
0x58: {  	v18 =	vadd.s32 $0x6, v3  }
0x59: {  	[tilespmem:s14+$0xA000] =	vst v6  }
0x5a: {  	v6 =	vld.idx.msk [tilespmem:v16+s10+$0x0], $0xffff  }
0x5b: {  	v19 =	vld.idx.msk [tilespmem:v17+s10+$0x0], $0xffff;
	_ =	sdelay $0x1  }
0x5c: {  	v7 =	vld.idx.msk [tilespmem:v18+s10+$0x0], $0xffff;
	_ =	sdelay $0x2  }
0x5d: {  	v6 =	vmul.f32 v6, v4;
	v8 =	vmul.f32 v19, v5;
	_ =	sdelay $0x1  }
0x5e: {  	v20 =	vadd.s32 $0x7, v0;
	v7 =	vmul.f32 v7, v1;
	v6 =	vadd.f32 v8, v6  }
0x5f: {  	v21 =	vadd.s32 $0x7, v2  }
0x60: {  	v6 =	vadd.f32 v7, v6  }
0x61: {  	v22 =	vadd.s32 $0x7, v3  }
0x62: {  	[tilespmem:s14+$0xA200] =	vst v6  }
0x63: {  	v6 =	vld.idx.msk [tilespmem:v20+s10+$0x0], $0xffff  }
0x64: {  	v23 =	vld.idx.msk [tilespmem:v21+s10+$0x0], $0xffff;
	_ =	sdelay $0x1  }
0x65: {  	v7 =	vld.idx.msk [tilespmem:v22+s10+$0x0], $0xffff;
	_ =	sdelay $0x2  }
0x66: {  	v6 =	vmul.f32 v6, v4;
	v8 =	vmul.f32 v23, v5;
	_ =	sdelay $0x1  }
0x67: {  	v24 =	vadd.s32 $0x8, v0;
	v7 =	vmul.f32 v7, v1;
	v6 =	vadd.f32 v8, v6  }
0x68: {  	v25 =	vadd.s32 $0x8, v2  }
0x69: {  	v6 =	vadd.f32 v7, v6  }
0x6a: {  	v26 =	vadd.s32 $0x8, v3  }
0x6b: {  	[tilespmem:s14+$0xA400] =	vst v6  }
0x6c: {  	v6 =	vld.idx.msk [tilespmem:v24+s10+$0x0], $0xffff  }
0x6d: {  	v27 =	vld.idx.msk [tilespmem:v25+s10+$0x0], $0xffff;
	_ =	sdelay $0x1  }
0x6e: {  	v7 =	vld.idx.msk [tilespmem:v26+s10+$0x0], $0xffff;
	_ =	sdelay $0x2  }
0x6f: {  	v6 =	vmul.f32 v6, v4;
	v8 =	vmul.f32 v27, v5;
	_ =	sdelay $0x1  }
0x70: {  	v28 =	vadd.s32 $0x9, v0;
	v7 =	vmul.f32 v7, v1;
	v6 =	vadd.f32 v8, v6  }
0x71: {  	v29 =	vadd.s32 $0x9, v2  }
0x72: {  	v6 =	vadd.f32 v7, v6  }
0x73: {  	v30 =	vadd.s32 $0x9, v3  }
0x74: {  	[tilespmem:s14+$0xA600] =	vst v6  }
0x75: {  	v6 =	vld.idx.msk [tilespmem:v28+s10+$0x0], $0xffff  }
0x76: {  	v31 =	vld.idx.msk [tilespmem:v29+s10+$0x0], $0xffff;
	_ =	sdelay $0x1  }
0x77: {  	v7 =	vld.idx.msk [tilespmem:v30+s10+$0x0], $0xffff;
	_ =	sdelay $0x2  }
0x78: {  	v6 =	vmul.f32 v6, v4;
	v8 =	vmul.f32 v31, v5;
	_ =	sdelay $0x1  }
0x79: {  	v32 =	vadd.s32 $0xA, v0;
	v7 =	vmul.f32 v7, v1;
	v6 =	vadd.f32 v8, v6  }
0x7a: {  	v33 =	vadd.s32 $0xA, v2  }
0x7b: {  	v6 =	vadd.f32 v7, v6  }
0x7c: {  	v34 =	vadd.s32 $0xA, v3  }
0x7d: {  	[tilespmem:s14+$0xA800] =	vst v6  }
0x7e: {  	v6 =	vld.idx.msk [tilespmem:v32+s10+$0x0], $0xffff  }
0x7f: {  	v35 =	vld.idx.msk [tilespmem:v33+s10+$0x0], $0xffff;
	_ =	sdelay $0x1  }
0x80: {  	v7 =	vld.idx.msk [tilespmem:v34+s10+$0x0], $0xffff;
	_ =	sdelay $0x2  }
0x81: {  	v6 =	vmul.f32 v6, v4;
	v8 =	vmul.f32 v35, v5;
	_ =	sdelay $0x1  }
0x82: {  	v36 =	vadd.s32 $0xB, v0;
	v7 =	vmul.f32 v7, v1;
	v6 =	vadd.f32 v8, v6  }
0x83: {  	v37 =	vadd.s32 $0xB, v2  }
0x84: {  	v6 =	vadd.f32 v7, v6  }
0x85: {  	v38 =	vadd.s32 $0xB, v3  }
0x86: {  	[tilespmem:s14+$0xAA00] =	vst v6  }
0x87: {  	v6 =	vld.idx.msk [tilespmem:v36+s10+$0x0], $0xffff  }
0x88: {  	v39 =	vld.idx.msk [tilespmem:v37+s10+$0x0], $0xffff;
	_ =	sdelay $0x1  }
0x89: {  	v7 =	vld.idx.msk [tilespmem:v38+s10+$0x0], $0xffff;
	_ =	sdelay $0x2  }
0x8a: {  	v6 =	vmul.f32 v6, v4;
	v8 =	vmul.f32 v39, v5;
	_ =	sdelay $0x1  }
0x8b: {  	v40 =	vadd.s32 $0xC, v0;
	v7 =	vmul.f32 v7, v1;
	v6 =	vadd.f32 v8, v6  }
0x8c: {  	v41 =	vadd.s32 $0xC, v2  }
0x8d: {  	v6 =	vadd.f32 v7, v6  }
0x8e: {  	v42 =	vadd.s32 $0xC, v3  }
0x8f: {  	[tilespmem:s14+$0xAC00] =	vst v6  }
0x90: {  	v6 =	vld.idx.msk [tilespmem:v40+s10+$0x0], $0xffff  }
0x91: {  	v43 =	vld.idx.msk [tilespmem:v41+s10+$0x0], $0xffff;
	_ =	sdelay $0x1  }
0x92: {  	v7 =	vld.idx.msk [tilespmem:v42+s10+$0x0], $0xffff;
	_ =	sdelay $0x2  }
0x93: {  	v6 =	vmul.f32 v6, v4;
	v8 =	vmul.f32 v43, v5;
	_ =	sdelay $0x1  }
0x94: {  	v44 =	vadd.s32 $0xD, v0;
	v7 =	vmul.f32 v7, v1;
	v6 =	vadd.f32 v8, v6  }
0x95: {  	v45 =	vadd.s32 $0xD, v2  }
0x96: {  	v6 =	vadd.f32 v7, v6  }
0x97: {  	v46 =	vadd.s32 $0xD, v3  }
0x98: {  	[tilespmem:s14+$0xAE00] =	vst v6  }
0x99: {  	v6 =	vld.idx.msk [tilespmem:v44+s10+$0x0], $0xffff  }
0x9a: {  	v47 =	vld.idx.msk [tilespmem:v45+s10+$0x0], $0xffff;
	_ =	sdelay $0x1  }
0x9b: {  	v7 =	vld.idx.msk [tilespmem:v46+s10+$0x0], $0xffff;
	_ =	sdelay $0x2  }
0x9c: {  	v6 =	vmul.f32 v6, v4;
	v8 =	vmul.f32 v47, v5;
	_ =	sdelay $0x1  }
0x9d: {  	v48 =	vadd.s32 $0xE, v0;
	v7 =	vmul.f32 v7, v1;
	v6 =	vadd.f32 v8, v6  }
0x9e: {  	v49 =	vadd.s32 $0xE, v2  }
0x9f: {  	v6 =	vadd.f32 v7, v6  }
0xa0: {  	v50 =	vadd.s32 $0xE, v3  }
0xa1: {  	[tilespmem:s14+$0xB000] =	vst v6  }
0xa2: {  	v6 =	vld.idx.msk [tilespmem:v48+s10+$0x0], $0xffff  }
0xa3: {  	v51 =	vld.idx.msk [tilespmem:v49+s10+$0x0], $0xffff;
	_ =	sdelay $0x1  }
0xa4: {  	v7 =	vld.idx.msk [tilespmem:v50+s10+$0x0], $0xffff;
	_ =	sdelay $0x2  }
0xa5: {  	v6 =	vmul.f32 v6, v4;
	v8 =	vmul.f32 v51, v5;
	_ =	sdelay $0x1  }
0xa6: {  	v52 =	vadd.s32 $0xF, v0;
	v7 =	vmul.f32 v7, v1;
	v6 =	vadd.f32 v8, v6  }
0xa7: {  	v53 =	vadd.s32 $0xF, v2  }
0xa8: {  	v6 =	vadd.f32 v7, v6  }
0xa9: {  	v54 =	vadd.s32 $0xF, v3  }
0xaa: {  	[tilespmem:s14+$0xB200] =	vst v6  }
0xab: {  	v6 =	vld.idx.msk [tilespmem:v52+s10+$0x0], $0xffff  }
0xac: {  	v55 =	vld.idx.msk [tilespmem:v53+s10+$0x0], $0xffff;
	_ =	sdelay $0x1  }
0xad: {  	v7 =	vld.idx.msk [tilespmem:v54+s10+$0x0], $0xffff;
	_ =	sdelay $0x2  }
0xae: {  	v6 =	vmul.f32 v6, v4;
	v8 =	vmul.f32 v55, v5;
	_ =	sdelay $0x1  }
0xaf: {  	v56 =	vadd.s32 $0x10, v0;
	v7 =	vmul.f32 v7, v1;
	v6 =	vadd.f32 v8, v6  }
0xb0: {  	v57 =	vadd.s32 $0x10, v2  }
0xb1: {  	v6 =	vadd.f32 v7, v6  }
0xb2: {  	v58 =	vadd.s32 $0x10, v3  }
0xb3: {  	[tilespmem:s14+$0xB400] =	vst v6  }
0xb4: {  	v6 =	vld.idx.msk [tilespmem:v56+s10+$0x0], $0xffff  }
0xb5: {  	v59 =	vld.idx.msk [tilespmem:v57+s10+$0x0], $0xffff;
	_ =	sdelay $0x1  }
0xb6: {  	v7 =	vld.idx.msk [tilespmem:v58+s10+$0x0], $0xffff;
	_ =	sdelay $0x2  }
0xb7: {  	v6 =	vmul.f32 v6, v4;
	v8 =	vmul.f32 v59, v5;
	_ =	sdelay $0x1  }
0xb8: {  	v60 =	vadd.s32 $0x11, v0;
	v7 =	vmul.f32 v7, v1;
	v6 =	vadd.f32 v8, v6  }
0xb9: {  	v61 =	vadd.s32 $0x11, v2  }
0xba: {  	v6 =	vadd.f32 v7, v6  }
0xbb: {  	v62 =	vadd.s32 $0x11, v3  }
0xbc: {  	[tilespmem:s14+$0xB600] =	vst v6  }
0xbd: {  	v6 =	vld.idx.msk [tilespmem:v60+s10+$0x0], $0xffff  }
0xbe: {  	v63 =	vld.idx.msk [tilespmem:v61+s10+$0x0], $0xffff;
	_ =	sdelay $0x1  }
0xbf: {  	v7 =	vld.idx.msk [tilespmem:v62+s10+$0x0], $0xffff;
	_ =	sdelay $0x2  }
0xc0: {  	v6 =	vmul.f32 v6, v4;
	v8 =	vmul.f32 v63, v5;
	_ =	sdelay $0x1  }
0xc1: {  	v12 =	vadd.s32 $0x12, v0;
	v7 =	vmul.f32 v7, v1;
	v6 =	vadd.f32 v8, v6  }
0xc2: {  	v13 =	vadd.s32 $0x12, v2  }
0xc3: {  	v6 =	vadd.f32 v7, v6  }
0xc4: {  	v14 =	vadd.s32 $0x12, v3  }
0xc5: {  	[tilespmem:s14+$0xB800] =	vst v6  }
0xc6: {  	v6 =	vld.idx.msk [tilespmem:v12+s10+$0x0], $0xffff  }
0xc7: {  	v15 =	vld.idx.msk [tilespmem:v13+s10+$0x0], $0xffff;
	_ =	sdelay $0x1  }
0xc8: {  	v7 =	vld.idx.msk [tilespmem:v14+s10+$0x0], $0xffff;
	_ =	sdelay $0x2  }
0xc9: {  	v6 =	vmul.f32 v6, v4;
	v8 =	vmul.f32 v15, v5;
	_ =	sdelay $0x1  }
0xca: {  	v16 =	vadd.s32 $0x13, v0;
	v7 =	vmul.f32 v7, v1;
	v6 =	vadd.f32 v8, v6  }
0xcb: {  	v17 =	vadd.s32 $0x13, v2  }
0xcc: {  	v6 =	vadd.f32 v7, v6  }
0xcd: {  	v18 =	vadd.s32 $0x13, v3  }
0xce: {  	[tilespmem:s14+$0xBA00] =	vst v6  }
0xcf: {  	v6 =	vld.idx.msk [tilespmem:v16+s10+$0x0], $0xffff  }
0xd0: {  	v19 =	vld.idx.msk [tilespmem:v17+s10+$0x0], $0xffff;
	_ =	sdelay $0x1  }
0xd1: {  	v7 =	vld.idx.msk [tilespmem:v18+s10+$0x0], $0xffff;
	_ =	sdelay $0x2  }
0xd2: {  	v6 =	vmul.f32 v6, v4;
	v8 =	vmul.f32 v19, v5;
	_ =	sdelay $0x1  }
0xd3: {  	v20 =	vadd.s32 $0x14, v0;
	v7 =	vmul.f32 v7, v1;
	v6 =	vadd.f32 v8, v6  }
0xd4: {  	v21 =	vadd.s32 $0x14, v2  }
0xd5: {  	v6 =	vadd.f32 v7, v6  }
0xd6: {  	v22 =	vadd.s32 $0x14, v3  }
0xd7: {  	[tilespmem:s14+$0xBC00] =	vst v6  }
0xd8: {  	v6 =	vld.idx.msk [tilespmem:v20+s10+$0x0], $0xffff  }
0xd9: {  	v23 =	vld.idx.msk [tilespmem:v21+s10+$0x0], $0xffff;
	_ =	sdelay $0x1  }
0xda: {  	v7 =	vld.idx.msk [tilespmem:v22+s10+$0x0], $0xffff;
	_ =	sdelay $0x2  }
0xdb: {  	v6 =	vmul.f32 v6, v4;
	v8 =	vmul.f32 v23, v5;
	_ =	sdelay $0x1  }
0xdc: {  	v24 =	vadd.s32 $0x15, v0;
	v7 =	vmul.f32 v7, v1;
	v6 =	vadd.f32 v8, v6  }
0xdd: {  	v25 =	vadd.s32 $0x15, v2  }
0xde: {  	v6 =	vadd.f32 v7, v6  }
0xdf: {  	v26 =	vadd.s32 $0x15, v3  }
0xe0: {  	[tilespmem:s14+$0xBE00] =	vst v6  }
0xe1: {  	v6 =	vld.idx.msk [tilespmem:v24+s10+$0x0], $0xffff  }
0xe2: {  	v27 =	vld.idx.msk [tilespmem:v25+s10+$0x0], $0xffff;
	_ =	sdelay $0x1  }
0xe3: {  	v7 =	vld.idx.msk [tilespmem:v26+s10+$0x0], $0xffff;
	_ =	sdelay $0x2  }
0xe4: {  	v6 =	vmul.f32 v6, v4;
	v8 =	vmul.f32 v27, v5;
	_ =	sdelay $0x1  }
0xe5: {  	v28 =	vadd.s32 $0x16, v0;
	v7 =	vmul.f32 v7, v1;
	v6 =	vadd.f32 v8, v6  }
0xe6: {  	v29 =	vadd.s32 $0x16, v2  }
0xe7: {  	v6 =	vadd.f32 v7, v6  }
0xe8: {  	v30 =	vadd.s32 $0x16, v3  }
0xe9: {  	[tilespmem:s14+$0xC000] =	vst v6  }
0xea: {  	v6 =	vld.idx.msk [tilespmem:v28+s10+$0x0], $0xffff  }
0xeb: {  	v31 =	vld.idx.msk [tilespmem:v29+s10+$0x0], $0xffff;
	_ =	sdelay $0x1  }
0xec: {  	v7 =	vld.idx.msk [tilespmem:v30+s10+$0x0], $0xffff;
	_ =	sdelay $0x2  }
0xed: {  	v6 =	vmul.f32 v6, v4;
	v8 =	vmul.f32 v31, v5;
	_ =	sdelay $0x1  }
0xee: {  	v32 =	vadd.s32 $0x17, v0;
	v7 =	vmul.f32 v7, v1;
	v6 =	vadd.f32 v8, v6  }
0xef: {  	v33 =	vadd.s32 $0x17, v2  }
0xf0: {  	v6 =	vadd.f32 v7, v6  }
0xf1: {  	v34 =	vadd.s32 $0x17, v3  }
0xf2: {  	[tilespmem:s14+$0xC200] =	vst v6  }
0xf3: {  	v6 =	vld.idx.msk [tilespmem:v32+s10+$0x0], $0xffff  }
0xf4: {  	v35 =	vld.idx.msk [tilespmem:v33+s10+$0x0], $0xffff;
	_ =	sdelay $0x1  }
0xf5: {  	v7 =	vld.idx.msk [tilespmem:v34+s10+$0x0], $0xffff;
	_ =	sdelay $0x2  }
0xf6: {  	v6 =	vmul.f32 v6, v4;
	v8 =	vmul.f32 v35, v5;
	_ =	sdelay $0x1  }
0xf7: {  	v36 =	vadd.s32 $0x18, v0;
	v7 =	vmul.f32 v7, v1;
	v6 =	vadd.f32 v8, v6  }
0xf8: {  	v37 =	vadd.s32 $0x18, v2  }
0xf9: {  	v6 =	vadd.f32 v7, v6  }
0xfa: {  	v38 =	vadd.s32 $0x18, v3  }
0xfb: {  	[tilespmem:s14+$0xC400] =	vst v6  }
0xfc: {  	v6 =	vld.idx.msk [tilespmem:v36+s10+$0x0], $0xffff  }
0xfd: {  	v39 =	vld.idx.msk [tilespmem:v37+s10+$0x0], $0xffff;
	_ =	sdelay $0x1  }
0xfe: {  	v7 =	vld.idx.msk [tilespmem:v38+s10+$0x0], $0xffff;
	_ =	sdelay $0x2  }
0xff: {  	v6 =	vmul.f32 v6, v4;
	v8 =	vmul.f32 v39, v5;
	_ =	sdelay $0x1  }
0x100: {  	v40 =	vadd.s32 $0x19, v0;
	v7 =	vmul.f32 v7, v1;
	v6 =	vadd.f32 v8, v6  }
0x101: {  	v41 =	vadd.s32 $0x19, v2  }
0x102: {  	v6 =	vadd.f32 v7, v6  }
0x103: {  	v42 =	vadd.s32 $0x19, v3  }
0x104: {  	[tilespmem:s14+$0xC600] =	vst v6  }
0x105: {  	v6 =	vld.idx.msk [tilespmem:v40+s10+$0x0], $0xffff  }
0x106: {  	v43 =	vld.idx.msk [tilespmem:v41+s10+$0x0], $0xffff;
	_ =	sdelay $0x1  }
0x107: {  	v7 =	vld.idx.msk [tilespmem:v42+s10+$0x0], $0xffff;
	_ =	sdelay $0x2  }
0x108: {  	v6 =	vmul.f32 v6, v4;
	v8 =	vmul.f32 v43, v5;
	_ =	sdelay $0x1  }
0x109: {  	v44 =	vadd.s32 $0x1A, v0;
	v7 =	vmul.f32 v7, v1;
	v6 =	vadd.f32 v8, v6  }
0x10a: {  	v45 =	vadd.s32 $0x1A, v2  }
0x10b: {  	v6 =	vadd.f32 v7, v6  }
0x10c: {  	v46 =	vadd.s32 $0x1A, v3  }
0x10d: {  	[tilespmem:s14+$0xC800] =	vst v6  }
0x10e: {  	v6 =	vld.idx.msk [tilespmem:v44+s10+$0x0], $0xffff  }
0x10f: {  	v47 =	vld.idx.msk [tilespmem:v45+s10+$0x0], $0xffff;
	_ =	sdelay $0x1  }
0x110: {  	v7 =	vld.idx.msk [tilespmem:v46+s10+$0x0], $0xffff;
	_ =	sdelay $0x2  }
0x111: {  	v6 =	vmul.f32 v6, v4;
	v8 =	vmul.f32 v47, v5;
	_ =	sdelay $0x1  }
0x112: {  	v48 =	vadd.s32 $0x1B, v0;
	v7 =	vmul.f32 v7, v1;
	v6 =	vadd.f32 v8, v6  }
0x113: {  	v49 =	vadd.s32 $0x1B, v2  }
0x114: {  	v6 =	vadd.f32 v7, v6  }
0x115: {  	v50 =	vadd.s32 $0x1B, v3  }
0x116: {  	[tilespmem:s14+$0xCA00] =	vst v6  }
0x117: {  	v6 =	vld.idx.msk [tilespmem:v48+s10+$0x0], $0xffff  }
0x118: {  	v51 =	vld.idx.msk [tilespmem:v49+s10+$0x0], $0xffff;
	_ =	sdelay $0x1  }
0x119: {  	v7 =	vld.idx.msk [tilespmem:v50+s10+$0x0], $0xffff;
	_ =	sdelay $0x2  }
0x11a: {  	v6 =	vmul.f32 v6, v4;
	v8 =	vmul.f32 v51, v5;
	_ =	sdelay $0x1  }
0x11b: {  	v52 =	vadd.s32 $0x1C, v0;
	v7 =	vmul.f32 v7, v1;
	v6 =	vadd.f32 v8, v6  }
0x11c: {  	v53 =	vadd.s32 $0x1C, v2  }
0x11d: {  	v6 =	vadd.f32 v7, v6  }
0x11e: {  	v54 =	vadd.s32 $0x1C, v3  }
0x11f: {  	[tilespmem:s14+$0xCC00] =	vst v6  }
0x120: {  	v6 =	vld.idx.msk [tilespmem:v52+s10+$0x0], $0xffff  }
0x121: {  	v55 =	vld.idx.msk [tilespmem:v53+s10+$0x0], $0xffff;
	_ =	sdelay $0x1  }
0x122: {  	v7 =	vld.idx.msk [tilespmem:v54+s10+$0x0], $0xffff;
	_ =	sdelay $0x2  }
0x123: {  	v6 =	vmul.f32 v6, v4;
	v8 =	vmul.f32 v55, v5;
	_ =	sdelay $0x1  }
0x124: {  	v56 =	vadd.s32 $0x1D, v0;
	v7 =	vmul.f32 v7, v1;
	v6 =	vadd.f32 v8, v6  }
0x125: {  	v57 =	vadd.s32 $0x1D, v2  }
0x126: {  	v6 =	vadd.f32 v7, v6  }
0x127: {  	v58 =	vadd.s32 $0x1D, v3  }
0x128: {  	[tilespmem:s14+$0xCE00] =	vst v6  }
0x129: {  	v6 =	vld.idx.msk [tilespmem:v56+s10+$0x0], $0xffff  }
0x12a: {  	v59 =	vld.idx.msk [tilespmem:v57+s10+$0x0], $0xffff;
	_ =	sdelay $0x1  }
0x12b: {  	v7 =	vld.idx.msk [tilespmem:v58+s10+$0x0], $0xffff;
	_ =	sdelay $0x2  }
0x12c: {  	v6 =	vmul.f32 v6, v4;
	v8 =	vmul.f32 v59, v5;
	_ =	sdelay $0x1  }
0x12d: {  	v60 =	vadd.s32 $0x1E, v0;
	v7 =	vmul.f32 v7, v1;
	v6 =	vadd.f32 v8, v6  }
0x12e: {  	v61 =	vadd.s32 $0x1E, v2  }
0x12f: {  	v6 =	vadd.f32 v7, v6  }
0x130: {  	v62 =	vadd.s32 $0x1E, v3  }
0x131: {  	[tilespmem:s14+$0xD000] =	vst v6  }
0x132: {  	v6 =	vld.idx.msk [tilespmem:v60+s10+$0x0], $0xffff  }
0x133: {  	v63 =	vld.idx.msk [tilespmem:v61+s10+$0x0], $0xffff;
	_ =	sdelay $0x1  }
0x134: {  	v7 =	vld.idx.msk [tilespmem:v62+s10+$0x0], $0xffff;
	_ =	sdelay $0x2  }
0x135: {  	v6 =	vmul.f32 v6, v4;
	v8 =	vmul.f32 v63, v5;
	_ =	sdelay $0x1  }
0x136: {  	v0 =	vadd.s32 $0x1F, v0;
	v7 =	vmul.f32 v7, v1;
	v6 =	vadd.f32 v8, v6  }
0x137: {  	v2 =	vadd.s32 $0x1F, v2  }
0x138: {  	v6 =	vadd.f32 v7, v6  }
0x139: {  	v3 =	vadd.s32 $0x1F, v3  }
0x13a: {  	[tilespmem:s14+$0xD200] =	vst v6  }
0x13b: {  	v0 =	vld.idx.msk [tilespmem:v0+s10+$0x0], $0xffff  }
0x13c: {  	v2 =	vld.idx.msk [tilespmem:v2+s10+$0x0], $0xffff;
	_ =	sdelay $0x1  }
0x13d: {  	v3 =	vld.idx.msk [tilespmem:v3+s10+$0x0], $0xffff;
	_ =	sdelay $0x2  }
0x13e: {  	v0 =	vmul.f32 v0, v4;
	v2 =	vmul.f32 v2, v5  }
0x13f: {  	p0 =	sne.s32 s13, $0xFFFFFFC0  }
.Ltmp0:
0x140: {  	v1 =	vmul.f32 v3, v1;
	v0 =	vadd.f32 v2, v0;
	(pc) =	sbr.rel @p0 .LBB2_2-.Ltmp0, $3  }
0x141: {  	_ = 	snop  }
0x142: {  	v0 =	vadd.f32 v1, v0;
	_ =	sdelay $0x1  }
0x143: {  	s13 =	sadd.s32 $0x40, s13;
	[tilespmem:s14+$0xD400] =	vst v0  }
0x144: {  	s12 =	sadd.s32 $0x1, s12  }
0x145: {  	p0 =	sne.s32 s12, s6  }
.Ltmp1:
0x146: {  	_ = 	snop;
	(pc) =	sbr.rel @p0 .LBB2_1-.Ltmp1, $4  }
0x147: {  	[hbm4b:s5+s7] =	stream.strided.scatter [tilespmem:s11], [sflag:$0x1], $0x4000, s8, s7, $0x38;
	[tilespmem:$0xD400] =	vst v63  }
0x148: {  	_ =	swait.ge [sflag:s9], $0x4000  }
0x149: {  	[sflag:s9] =	ssyncset.done $0x0  }
0x14a: {  	[sflag:s9] =	ssyncadd.s32 $0xFFFFC000  }
0x14b: {  	_ =	sfence.sel $0x180000  }
0x14c: {  	[bflag:$0x0] =	sbarrier.arrive $0xFFFF  }
0x14d: {  	p0 =	sne.s32 s2, $0x0;
	_ =	strace $0x90000047  }
0x14e: {  	s0 =	sadd.s32 @!p0 $0x100000, s0;
	[bflag:$0x2] =	sbarrier.arrive $0xFFFF  }
0x14f: {  	[sflag:s0] =	ssyncadd.tile.s32 @!p0 $0x1;
	_ =	shalt  }
.Lfunc_end2:
_tile_overlayer_lowered:
.L_overlay_start_2:
0x150: {  	(tag) =	ssettag $0x2  }
0x151: {  	s0 =	rddreg [dreg:$0x0];
	s2 =	stileid.u32  }
0x152: {  	s1 =	rddreg [dreg:$0x1];
	p0 =	sne.s32 s2, $0x0  }
0x153: {  	s3 =	rddreg [dreg:$0x2];
	[bflag:$0x3] =	sbarrier.arrive $0xFFFF;
	s2 =	simm.s32 @!p0 $0x1C01  }
0x154: {  	[timem:s3], [sflag:s2] =	dma.local @!p0 [hbm:s0], s1  }
0x155: {  	s0 =	simm.s32 @!p0 $0x1  }
0x156: {  	_ =	swait.ge @!p0 [sflag:s0], s1  }
0x157: {  	s1 =	ssub.s32 @!p0 $0x0, s1;
	[sflag:s0] =	ssyncset.done @!p0 $0x0  }
0x158: {  	[sflag:s0] =	ssyncadd.s32 @!p0 s1  }
0x159: {  	[bflag:$0x3] =	sbarrier.arrive $0xFFFF  }
0x15a: {  	_ =	shalt  }

</sc_bundles>
